<compile_context>
chip_gen: v7x
topology: tpu7x:2x2x1
jax: 0.10.2.dev20260603
libtpu: 0.0.44.dev20260713+nightly
codegen_flags: <defaults>
</compile_context>

<pallas_src>
import functools

import jax
import jax.numpy as jnp
from jax import lax
from jax.experimental import pallas as pl
from jax.experimental.pallas import tpu as pltpu
from jax.experimental.pallas import tpu_sc as plsc

P = 4096
SEQ = 4096
STATE = 2048
EW = 2048
L = 16
CH = 8
U = 8
BLK = 512


def _sc_body(hist_hbm, cur_hbm, dist_hbm, e_hbm,
             hist_v, cur_all_v, idxa_v, idxb_v, rows_v, ea_v, eb_v,
             sem_in, sem_a, sem_b):
    info = plsc.get_sparse_core_info()
    nc, ns = info.num_cores, info.num_subcores
    nw = nc * ns
    wid = lax.axis_index("s") * nc + lax.axis_index("c")

    pltpu.sync_copy(hist_hbm, hist_v)
    pltpu.sync_copy(cur_hbm, cur_all_v)

    iota = lax.iota(jnp.int32, L)
    NCH = STATE // 32 // CH

    def stage_chunk(c, idx_ref, buf):
        tt = jnp.minimum(c * CH + iota, STATE // nw - 1)
        rowidx = plsc.load_gather(cur_all_v, [wid + tt * nw])
        idx_ref[pl.ds(0, L)] = rowidx
        pltpu.async_copy(dist_hbm.at[idx_ref.at[pl.ds(0, CH)]], buf, sem_in)

    stage_chunk(0, idxa_v, rows_v.at[0])

    def gather_row(t, e_ref):
        c = lax.div(t, CH)
        k = t - c * CH
        i = wid + t * nw
        kvec = jnp.full((L,), k, jnp.int32)
        pvec = jnp.full((L,), c & 1, jnp.int32)

        @pl.when(k == 0)
        def _():
            pltpu.make_async_copy(
                dist_hbm.at[idxa_v.at[pl.ds(0, CH)]], rows_v.at[0],
                sem_in).wait()

            @pl.when((c < NCH - 1) & ((c & 1) == 0))
            def _():
                stage_chunk(c + 1, idxb_v, rows_v.at[1])

            @pl.when((c < NCH - 1) & ((c & 1) == 1))
            def _():
                stage_chunk(c + 1, idxa_v, rows_v.at[0])

        nv2 = (((i + 1) >> 7) << 3) + 16

        @plsc.parallel_loop(0, nv2, unroll=U)
        def _(v):
            idx = hist_v[pl.ds(v * L, L)]
            g = plsc.load_gather(rows_v, [pvec, kvec, idx])
            e_ref[pl.ds(v * L, L)] = 1.0 / g

        return i

    def put_row(i, e_ref, sem):
        for j in range(4):
            @pl.when((i >> 9) == j)
            def _(j=j):
                wj = (j + 1) * 512
                pltpu.async_copy(e_ref.at[pl.ds(0, wj)],
                                 e_hbm.at[i, pl.ds(0, wj)], sem)

    def drain_row(i, e_ref, sem):
        for j in range(4):
            @pl.when((i >> 9) == j)
            def _(j=j):
                wj = (j + 1) * 512
                pltpu.make_async_copy(e_ref.at[pl.ds(0, wj)],
                                      e_hbm.at[i, pl.ds(0, wj)],
                                      sem).wait()

    def pair_body(q, carry):
        ia = gather_row(2 * q, ea_v)
        put_row(ia, ea_v, sem_a)

        @pl.when(q > 0)
        def _():
            drain_row(ia - nw, eb_v, sem_b)

        ib = gather_row(2 * q + 1, eb_v)
        put_row(ib, eb_v, sem_b)
        drain_row(ia, ea_v, sem_a)
        return carry

    lax.fori_loop(0, STATE // nw // 2, pair_body, 0)
    pltpu.make_async_copy(eb_v.at[pl.ds(0, 2048)],
                          e_hbm.at[0, pl.ds(0, 2048)], sem_b).wait()


_sc_energies = functools.partial(
    pl.kernel,
    out_type=jax.ShapeDtypeStruct((STATE, EW), jnp.float32),
    mesh=plsc.VectorSubcoreMesh(core_axis_name="c", subcore_axis_name="s"),
    compiler_params=pltpu.CompilerParams(
        use_tc_tiling_on_sc=True, needs_layout_passes=False),
    scratch_types=[
        pltpu.VMEM((SEQ,), jnp.int32),
        pltpu.VMEM((STATE,), jnp.int32),
        pltpu.VMEM((L,), jnp.int32),
        pltpu.VMEM((L,), jnp.int32),
        pltpu.VMEM((2, CH, SEQ), jnp.float32),
        pltpu.VMEM((SEQ,), jnp.float32),
        pltpu.VMEM((SEQ,), jnp.float32),
        pltpu.SemaphoreType.DMA,
        pltpu.SemaphoreType.DMA,
        pltpu.SemaphoreType.DMA,
    ],
)(_sc_body)


def _tc_softmax_body(e0_ref, e1_ref, e2_ref, e3_ref, o_ref):
    b = pl.program_id(0)
    refs = [e0_ref, e1_ref, e2_ref, e3_ref]
    for j in range(STATE // BLK):
        @pl.when(b == j)
        def _(j=j):
            w = (j + 1) * BLK
            rows = jax.lax.broadcasted_iota(jnp.int32, (BLK, BLK), 0) + j * BLK
            cols = jax.lax.broadcasted_iota(jnp.int32, (BLK, BLK), 1) + j * BLK
            strip = jnp.where(cols <= rows, refs[j][...], 0.0)
            if j > 0:
                e = jnp.concatenate(
                    [refs[t][...] for t in range(j)] + [strip], axis=1)
            else:
                e = strip
            m = jnp.max(e, axis=1, keepdims=True)
            p = jnp.exp(e - m)
            em = jnp.exp(-m)
            s = jnp.sum(p, axis=1, keepdims=True) + float(SEQ - w) * em
            r = 1.0 / s
            o_ref[:, :w] = p * r
            o_ref[:, w:] = jnp.broadcast_to(em * r, (BLK, SEQ - w))


def _make_strip_spec(j):
    return pl.BlockSpec((BLK, BLK), lambda b: (jnp.maximum(b, j), j))


def _tc_softmax(e):
    return pl.pallas_call(
        _tc_softmax_body,
        grid=(STATE // BLK,),
        in_specs=[_make_strip_spec(j) for j in range(STATE // BLK)],
        out_specs=pl.BlockSpec((BLK, SEQ), lambda b: (b, 0)),
        out_shape=jax.ShapeDtypeStruct((STATE, SEQ), jnp.float32),
    )(e, e, e, e)


def kernel(history, current, poi_distance_matrix):
    hist = history.astype(jnp.int32)
    cur = current.astype(jnp.int32)
    e = _sc_energies(hist, cur, poi_distance_matrix)
    return _tc_softmax(e)

# --- scband reference (transcript-rebuilt; emitter-appended) ---
"""Pipeline reference for scband-self-attn-loc-90795608637910 (READ-ONLY COPY).

The authoritative reference and input builder live on the scoring server;
editing this copy changes nothing except your own understanding.
"""

import jax, jax.numpy as jnp
import numpy as np


def setup_inputs(seed: int = 0) -> dict:
    key = jax.random.key(seed)
    k1, k2, k3 = jax.random.split(key, 3)
    P = 4096
    seq_len = 4096
    state_len = 2048
    history = jax.random.randint(k1, (seq_len,), 0, P, dtype=jnp.int64)
    current = jax.random.randint(k2, (state_len,), 0, P, dtype=jnp.int64)
    poi_distance_matrix = jax.random.uniform(k3, (P, P), dtype=jnp.float32)
    return {"history": history, "current": current, "poi_distance_matrix": poi_distance_matrix}


def reference(history, current, poi_distance_matrix):
    seq_len = history.shape[0]
    state_len = current.shape[0]
    # gather: dist[current[i], history[j]] for all (i, j)
    gathered = poi_distance_matrix[current[:, None], history[None, :]]  # [state_len, seq_len]
    inv = 1.0 / gathered
    # causal lower-triangular fill: entries with j > i remain 0 (as in the torch loop)
    mask = jnp.arange(seq_len)[None, :] <= jnp.arange(state_len)[:, None]
    attn_energies = jnp.where(mask, inv, jnp.zeros_like(inv))
    # F.softmax on a 2D tensor with implicit dim resolves to dim=1 (last dim)
    return jax.nn.softmax(attn_energies, axis=-1)

if __name__ == "__main__":
    import jax
    _d = setup_inputs()
    print(jax.jit(kernel)(*tuple(_d.values())))

</pallas_src>

<mosaic_0001>
#map = affine_map<(d0, d1) -> (0)>
#map1 = affine_map<(d0, d1) -> (0, 0)>
module attributes {stable_mosaic.version = 14 : i64} {
  func.func @_sc_body(%arg0: i32, %arg1: i32, %arg2: memref<4096xi32, #tpu.memory_space<hbm>>, %arg3: memref<2048xi32, #tpu.memory_space<hbm>>, %arg4: memref<4096x4096xf32, #tpu.memory_space<hbm>>, %arg5: memref<2048x2048xf32, #tpu.memory_space<hbm>>, %arg6: memref<4096xi32, #tpu.memory_space<vmem>>, %arg7: memref<2048xi32, #tpu.memory_space<vmem>>, %arg8: memref<16xi32, #tpu.memory_space<vmem>>, %arg9: memref<16xi32, #tpu.memory_space<vmem>>, %arg10: memref<2x8x4096xf32, #tpu.memory_space<vmem>>, %arg11: memref<4096xf32, #tpu.memory_space<vmem>>, %arg12: memref<4096xf32, #tpu.memory_space<vmem>>, %arg13: memref<!tpu.dma_semaphore, #tpu.memory_space<semaphore_mem>>, %arg14: memref<!tpu.dma_semaphore, #tpu.memory_space<semaphore_mem>>, %arg15: memref<!tpu.dma_semaphore, #tpu.memory_space<semaphore_mem>>) attributes {dimension_semantics = [#tpu.dimension_semantics<core_parallel>, #tpu.dimension_semantics<subcore_parallel>], iteration_bounds = array<i64: 2, 16>, scalar_prefetch = 0 : i64, scratch_operands = 10 : i64, tpu.core_type = #tpu.core_type<sc_vector_subcore>, window_params = [{transform_indices = #map}, {transform_indices = #map}, {transform_indices = #map1}, {transform_indices = #map1}]} {
    %mul3A = arith.constant 2 : i32
    %mul3A_0 = arith.muli %arg1, %mul3A : i32
    %add3A = arith.addi %mul3A_0, %arg0 : i32
    "tpu.region"() ({
      %run_scoped3A = tpu.sem_alloc : memref<!tpu.dma_semaphore, #tpu.memory_space<semaphore_mem>>
      tpu.enqueue_dma source(%arg2 : memref<4096xi32, #tpu.memory_space<hbm>>) target(%arg6 : memref<4096xi32, #tpu.memory_space<vmem>>) target_semaphore(%run_scoped3A : memref<!tpu.dma_semaphore, #tpu.memory_space<semaphore_mem>>)
      tpu.wait_dma2 semaphore(%run_scoped3A : memref<!tpu.dma_semaphore, #tpu.memory_space<semaphore_mem>>) src(%arg2 : memref<4096xi32, #tpu.memory_space<hbm>>) dst(%arg6 : memref<4096xi32, #tpu.memory_space<vmem>>)
      tpu.yield
    }) : () -> ()
    "tpu.region"() ({
      %run_scoped3A = tpu.sem_alloc : memref<!tpu.dma_semaphore, #tpu.memory_space<semaphore_mem>>
      tpu.enqueue_dma source(%arg3 : memref<2048xi32, #tpu.memory_space<hbm>>) target(%arg7 : memref<2048xi32, #tpu.memory_space<vmem>>) target_semaphore(%run_scoped3A : memref<!tpu.dma_semaphore, #tpu.memory_space<semaphore_mem>>)
      tpu.wait_dma2 semaphore(%run_scoped3A : memref<!tpu.dma_semaphore, #tpu.memory_space<semaphore_mem>>) src(%arg3 : memref<2048xi32, #tpu.memory_space<hbm>>) dst(%arg7 : memref<2048xi32, #tpu.memory_space<vmem>>)
      tpu.yield
    }) : () -> ()
    %iota3A = tpu.iota {dimensions = array<i32: 0>} : vector<16xi32>
    %add3A_1 = arith.constant 0 : i32
    %add3A_2 = vector.broadcast %add3A_1 : i32 to vector<16xi32>
    %add3A_3 = arith.addi %add3A_2, %iota3A : vector<16xi32>
    %min3A = arith.constant 63 : i32
    %min3A_4 = vector.broadcast %min3A : i32 to vector<16xi32>
    %min3A_5 = arith.minsi %add3A_3, %min3A_4 : vector<16xi32>
    %mul3A_6 = arith.constant 32 : i32
    %mul3A_7 = vector.broadcast %mul3A_6 : i32 to vector<16xi32>
    %mul3A_8 = arith.muli %min3A_5, %mul3A_7 : vector<16xi32>
    %add3A_9 = vector.broadcast %add3A : i32 to vector<16xi32>
    %add3A_10 = arith.addi %add3A_9, %mul3A_8 : vector<16xi32>
    %gather3A = tpu.vector_load_idx %arg7[%add3A_10] : memref<2048xi32, #tpu.memory_space<vmem>>[vector<16xi32>], vector<16xi32>,
    %swap3A = arith.constant 0 : index
    %swap3A_11 = tpu.vector_load %arg8[%swap3A] {strides = array<i32>} : memref<16xi32, #tpu.memory_space<vmem>>, vector<16xi32>,
    tpu.vector_store %arg8[%swap3A], %gather3A {strides = array<i32>} : memref<16xi32, #tpu.memory_space<vmem>>, vector<16xi32>,
    %dma_start3A = arith.constant 0 : i32
    %dma_start3A_12 = arith.constant 0 : i32
    %dma_start3A_13 = arith.constant 0 : i32
    %dma_start3A_14 = tpu.memref_slice %arg10[%dma_start3A, %dma_start3A_12, %dma_start3A_13] : memref<2x8x4096xf32, #tpu.memory_space<vmem>> -> memref<1x8x4096xf32, #tpu.memory_space<vmem>>
    %dma_start3A_15 = tpu.memref_squeeze %dma_start3A_14 : memref<1x8x4096xf32, #tpu.memory_space<vmem>> -> memref<8x4096xf32, #tpu.memory_space<vmem>>
    %dma_start3A_16 = arith.constant 0 : i32
    %dma_start3A_17 = tpu.memref_slice %arg8[%dma_start3A_16] : memref<16xi32, #tpu.memory_space<vmem>> -> memref<8xi32, #tpu.memory_space<vmem>>
    %dma_start3A_18 = arith.constant 0 : i32
    %dma_start3A_19 = arith.constant 0 : i32
    %dma_start3A_20 = tpu.memref_slice %arg4[%dma_start3A_18, %dma_start3A_19] : memref<4096x4096xf32, #tpu.memory_space<hbm>> -> memref<4096x4096xf32, #tpu.memory_space<hbm>>
    tpu.enqueue_indirect_dma source(%dma_start3A_20 : memref<4096x4096xf32, #tpu.memory_space<hbm>>) target(%dma_start3A_15 : memref<8x4096xf32, #tpu.memory_space<vmem>>) offsets(%dma_start3A_17 : memref<8xi32, #tpu.memory_space<vmem>>) semaphore(%arg13 : memref<!tpu.dma_semaphore, #tpu.memory_space<semaphore_mem>>)
    %scan3A = arith.constant 0 : i32
    %scan3A_21 = arith.constant 0 : i32
    %scan3A_22 = arith.constant 32 : i32
    %scan3A_23 = arith.addi %scan3A_21, %scan3A_22 : i32
    %scan3A_24 = arith.constant 1 : i32
    scf.for %scan3A_36 = %scan3A_21 to %scan3A_23 step %scan3A_24  : i32 {
      %mul3A_37 = arith.constant 2 : i32
      %mul3A_38 = arith.muli %mul3A_37, %scan3A_36 : i32
      %div3A = arith.constant 8 : i32
      %div3A_39 = arith.divsi %mul3A_38, %div3A : i32
      %mul3A_40 = arith.constant 8 : i32
      %mul3A_41 = arith.muli %div3A_39, %mul3A_40 : i32
      %sub3A = arith.subi %mul3A_38, %mul3A_41 : i32
      %mul3A_42 = arith.constant 32 : i32
      %mul3A_43 = arith.muli %mul3A_38, %mul3A_42 : i32
      %add3A_44 = arith.addi %add3A, %mul3A_43 : i32
      %broadcast_in_dim3A = vector.broadcast %sub3A : i32 to vector<16xi32>
      %and3A = arith.constant 1 : i32
      %and3A_45 = arith.andi %div3A_39, %and3A : i32
      %broadcast_in_dim3A_46 = vector.broadcast %and3A_45 : i32 to vector<16xi32>
      %eq3A = arith.constant 0 : i32
      %eq3A_47 = arith.cmpi eq, %sub3A, %eq3A : i32
      %convert_element_type3A = arith.extui %eq3A_47 : i1 to i32
      %cond3A = arith.constant 0 : i32
      %cond3A_48 = arith.cmpi ne, %convert_element_type3A, %cond3A : i32
      scf.if %cond3A_48 {
        %dma_wait3A_175 = arith.constant 0 : i32
        %dma_wait3A_176 = arith.constant 0 : i32
        %dma_wait3A_177 = arith.constant 0 : i32
        %dma_wait3A_178 = tpu.memref_slice %arg10[%dma_wait3A_175, %dma_wait3A_176, %dma_wait3A_177] : memref<2x8x4096xf32, #tpu.memory_space<vmem>> -> memref<1x8x4096xf32, #tpu.memory_space<vmem>>
        %dma_wait3A_179 = tpu.memref_squeeze %dma_wait3A_178 : memref<1x8x4096xf32, #tpu.memory_space<vmem>> -> memref<8x4096xf32, #tpu.memory_space<vmem>>
        %dma_wait3A_180 = arith.constant 0 : i32
        %dma_wait3A_181 = tpu.memref_slice %arg8[%dma_wait3A_180] : memref<16xi32, #tpu.memory_space<vmem>> -> memref<8xi32, #tpu.memory_space<vmem>>
        %dma_wait3A_182 = arith.constant 0 : i32
        %dma_wait3A_183 = arith.constant 0 : i32
        %dma_wait3A_184 = tpu.memref_slice %arg4[%dma_wait3A_182, %dma_wait3A_183] : memref<4096x4096xf32, #tpu.memory_space<hbm>> -> memref<4096x4096xf32, #tpu.memory_space<hbm>>
        tpu.wait_indirect_dma semaphore(%arg13 : memref<!tpu.dma_semaphore, #tpu.memory_space<semaphore_mem>>) src(%dma_wait3A_184 : memref<4096x4096xf32, #tpu.memory_space<hbm>>) dst(%dma_wait3A_179 : memref<8x4096xf32, #tpu.memory_space<vmem>>)
        %lt3A = arith.constant 7 : i32
        %lt3A_185 = arith.cmpi slt, %div3A_39, %lt3A : i32
        %and3A_186 = arith.constant 1 : i32
        %and3A_187 = arith.andi %div3A_39, %and3A_186 : i32
        %eq3A_188 = arith.constant 0 : i32
        %eq3A_189 = arith.cmpi eq, %and3A_187, %eq3A_188 : i32
        %and3A_190 = arith.andi %lt3A_185, %eq3A_189 : i1
        %convert_element_type3A_191 = arith.extui %and3A_190 : i1 to i32
        %cond3A_192 = arith.constant 0 : i32
        %cond3A_193 = arith.cmpi ne, %convert_element_type3A_191, %cond3A_192 : i32
        scf.if %cond3A_193 {
          %add3A_204 = arith.constant 1 : i32
          %add3A_205 = arith.addi %div3A_39, %add3A_204 : i32
          %mul3A_206 = arith.constant 8 : i32
          %mul3A_207 = arith.muli %add3A_205, %mul3A_206 : i32
          %add3A_208 = vector.broadcast %mul3A_207 : i32 to vector<16xi32>
          %add3A_209 = arith.addi %add3A_208, %iota3A : vector<16xi32>
          %min3A_210 = arith.constant 63 : i32
          %min3A_211 = vector.broadcast %min3A_210 : i32 to vector<16xi32>
          %min3A_212 = arith.minsi %add3A_209, %min3A_211 : vector<16xi32>
          %mul3A_213 = arith.constant 32 : i32
          %mul3A_214 = vector.broadcast %mul3A_213 : i32 to vector<16xi32>
          %mul3A_215 = arith.muli %min3A_212, %mul3A_214 : vector<16xi32>
          %add3A_216 = vector.broadcast %add3A : i32 to vector<16xi32>
          %add3A_217 = arith.addi %add3A_216, %mul3A_215 : vector<16xi32>
          %gather3A_218 = tpu.vector_load_idx %arg7[%add3A_217] : memref<2048xi32, #tpu.memory_space<vmem>>[vector<16xi32>], vector<16xi32>,
          %swap3A_219 = arith.constant 0 : index
          %swap3A_220 = tpu.vector_load %arg9[%swap3A_219] {strides = array<i32>} : memref<16xi32, #tpu.memory_space<vmem>>, vector<16xi32>,
          tpu.vector_store %arg9[%swap3A_219], %gather3A_218 {strides = array<i32>} : memref<16xi32, #tpu.memory_space<vmem>>, vector<16xi32>,
          %dma_start3A_221 = arith.constant 1 : i32
          %dma_start3A_222 = arith.constant 0 : i32
          %dma_start3A_223 = arith.constant 0 : i32
          %dma_start3A_224 = tpu.memref_slice %arg10[%dma_start3A_221, %dma_start3A_222, %dma_start3A_223] : memref<2x8x4096xf32, #tpu.memory_space<vmem>> -> memref<1x8x4096xf32, #tpu.memory_space<vmem>>
          %dma_start3A_225 = tpu.memref_squeeze %dma_start3A_224 : memref<1x8x4096xf32, #tpu.memory_space<vmem>> -> memref<8x4096xf32, #tpu.memory_space<vmem>>
          %dma_start3A_226 = arith.constant 0 : i32
          %dma_start3A_227 = tpu.memref_slice %arg9[%dma_start3A_226] : memref<16xi32, #tpu.memory_space<vmem>> -> memref<8xi32, #tpu.memory_space<vmem>>
          %dma_start3A_228 = arith.constant 0 : i32
          %dma_start3A_229 = arith.constant 0 : i32
          %dma_start3A_230 = tpu.memref_slice %arg4[%dma_start3A_228, %dma_start3A_229] : memref<4096x4096xf32, #tpu.memory_space<hbm>> -> memref<4096x4096xf32, #tpu.memory_space<hbm>>
          tpu.enqueue_indirect_dma source(%dma_start3A_230 : memref<4096x4096xf32, #tpu.memory_space<hbm>>) target(%dma_start3A_225 : memref<8x4096xf32, #tpu.memory_space<vmem>>) offsets(%dma_start3A_227 : memref<8xi32, #tpu.memory_space<vmem>>) semaphore(%arg13 : memref<!tpu.dma_semaphore, #tpu.memory_space<semaphore_mem>>)
        } else {
        }
        %lt3A_194 = arith.constant 7 : i32
        %lt3A_195 = arith.cmpi slt, %div3A_39, %lt3A_194 : i32
        %and3A_196 = arith.constant 1 : i32
        %and3A_197 = arith.andi %div3A_39, %and3A_196 : i32
        %eq3A_198 = arith.constant 1 : i32
        %eq3A_199 = arith.cmpi eq, %and3A_197, %eq3A_198 : i32
        %and3A_200 = arith.andi %lt3A_195, %eq3A_199 : i1
        %convert_element_type3A_201 = arith.extui %and3A_200 : i1 to i32
        %cond3A_202 = arith.constant 0 : i32
        %cond3A_203 = arith.cmpi ne, %convert_element_type3A_201, %cond3A_202 : i32
        scf.if %cond3A_203 {
          %add3A_204 = arith.constant 1 : i32
          %add3A_205 = arith.addi %div3A_39, %add3A_204 : i32
          %mul3A_206 = arith.constant 8 : i32
          %mul3A_207 = arith.muli %add3A_205, %mul3A_206 : i32
          %add3A_208 = vector.broadcast %mul3A_207 : i32 to vector<16xi32>
          %add3A_209 = arith.addi %add3A_208, %iota3A : vector<16xi32>
          %min3A_210 = arith.constant 63 : i32
          %min3A_211 = vector.broadcast %min3A_210 : i32 to vector<16xi32>
          %min3A_212 = arith.minsi %add3A_209, %min3A_211 : vector<16xi32>
          %mul3A_213 = arith.constant 32 : i32
          %mul3A_214 = vector.broadcast %mul3A_213 : i32 to vector<16xi32>
          %mul3A_215 = arith.muli %min3A_212, %mul3A_214 : vector<16xi32>
          %add3A_216 = vector.broadcast %add3A : i32 to vector<16xi32>
          %add3A_217 = arith.addi %add3A_216, %mul3A_215 : vector<16xi32>
          %gather3A_218 = tpu.vector_load_idx %arg7[%add3A_217] : memref<2048xi32, #tpu.memory_space<vmem>>[vector<16xi32>], vector<16xi32>,
          %swap3A_219 = arith.constant 0 : index
          %swap3A_220 = tpu.vector_load %arg8[%swap3A_219] {strides = array<i32>} : memref<16xi32, #tpu.memory_space<vmem>>, vector<16xi32>,
          tpu.vector_store %arg8[%swap3A_219], %gather3A_218 {strides = array<i32>} : memref<16xi32, #tpu.memory_space<vmem>>, vector<16xi32>,
          %dma_start3A_221 = arith.constant 0 : i32
          %dma_start3A_222 = arith.constant 0 : i32
          %dma_start3A_223 = arith.constant 0 : i32
          %dma_start3A_224 = tpu.memref_slice %arg10[%dma_start3A_221, %dma_start3A_222, %dma_start3A_223] : memref<2x8x4096xf32, #tpu.memory_space<vmem>> -> memref<1x8x4096xf32, #tpu.memory_space<vmem>>
          %dma_start3A_225 = tpu.memref_squeeze %dma_start3A_224 : memref<1x8x4096xf32, #tpu.memory_space<vmem>> -> memref<8x4096xf32, #tpu.memory_space<vmem>>
          %dma_start3A_226 = arith.constant 0 : i32
          %dma_start3A_227 = tpu.memref_slice %arg8[%dma_start3A_226] : memref<16xi32, #tpu.memory_space<vmem>> -> memref<8xi32, #tpu.memory_space<vmem>>
          %dma_start3A_228 = arith.constant 0 : i32
          %dma_start3A_229 = arith.constant 0 : i32
          %dma_start3A_230 = tpu.memref_slice %arg4[%dma_start3A_228, %dma_start3A_229] : memref<4096x4096xf32, #tpu.memory_space<hbm>> -> memref<4096x4096xf32, #tpu.memory_space<hbm>>
          tpu.enqueue_indirect_dma source(%dma_start3A_230 : memref<4096x4096xf32, #tpu.memory_space<hbm>>) target(%dma_start3A_225 : memref<8x4096xf32, #tpu.memory_space<vmem>>) offsets(%dma_start3A_227 : memref<8xi32, #tpu.memory_space<vmem>>) semaphore(%arg13 : memref<!tpu.dma_semaphore, #tpu.memory_space<semaphore_mem>>)
        } else {
        }
      } else {
      }
      %add3A_49 = arith.constant 1 : i32
      %add3A_50 = arith.addi %add3A_44, %add3A_49 : i32
      %shift_right_arithmetic3A = arith.constant 7 : i32
      %shift_right_arithmetic3A_51 = arith.shrsi %add3A_50, %shift_right_arithmetic3A : i32
      %shift_left3A = arith.constant 3 : i32
      %shift_left3A_52 = arith.shli %shift_right_arithmetic3A_51, %shift_left3A : i32
      %add3A_53 = arith.constant 16 : i32
      %add3A_54 = arith.addi %shift_left3A_52, %add3A_53 : i32
      %parallel_loop3A = arith.constant 0 : i32
      %parallel_loop3A_55 = arith.constant 1 : i32
      scf.for %parallel_loop3A_175 = %parallel_loop3A to %add3A_54 step %parallel_loop3A_55  : i32 {
        %parallel_loop3A_176 = arith.constant 16 : i32
        %parallel_loop3A_177 = arith.muli %parallel_loop3A_175, %parallel_loop3A_176 : i32
        %parallel_loop3A_178 = arith.index_cast %parallel_loop3A_177 : i32 to index
        %parallel_loop3A_179 = tpu.vector_load %arg6[%parallel_loop3A_178] {strides = array<i32>} : memref<4096xi32, #tpu.memory_space<vmem>>, vector<16xi32>,
        %parallel_loop3A_180 = tpu.vector_load_idx %arg10[%broadcast_in_dim3A_46, %broadcast_in_dim3A, %parallel_loop3A_179] : memref<2x8x4096xf32, #tpu.memory_space<vmem>>[vector<16xi32>, vector<16xi32>, vector<16xi32>], vector<16xf32>,
        %parallel_loop3A_181 = arith.constant 1.000000e+00 : f32
        %parallel_loop3A_182 = vector.broadcast %parallel_loop3A_181 : f32 to vector<16xf32>
        %parallel_loop3A_183 = arith.divf %parallel_loop3A_182, %parallel_loop3A_180 : vector<16xf32>
        %parallel_loop3A_184 = arith.constant 16 : i32
        %parallel_loop3A_185 = arith.muli %parallel_loop3A_175, %parallel_loop3A_184 : i32
        %parallel_loop3A_186 = arith.index_cast %parallel_loop3A_185 : i32 to index
        %parallel_loop3A_187 = tpu.vector_load %arg11[%parallel_loop3A_186] {strides = array<i32>} : memref<4096xf32, #tpu.memory_space<vmem>>, vector<16xf32>,
        tpu.vector_store %arg11[%parallel_loop3A_186], %parallel_loop3A_183 {strides = array<i32>} : memref<4096xf32, #tpu.memory_space<vmem>>, vector<16xf32>,
      } {sc.loop_unroll_factor = 8 : i64, sc.parallel_access}
      %shift_right_arithmetic3A_56 = arith.constant 9 : i32
      %shift_right_arithmetic3A_57 = arith.shrsi %add3A_44, %shift_right_arithmetic3A_56 : i32
      %eq3A_58 = arith.constant 0 : i32
      %eq3A_59 = arith.cmpi eq, %shift_right_arithmetic3A_57, %eq3A_58 : i32
      %convert_element_type3A_60 = arith.extui %eq3A_59 : i1 to i32
      %cond3A_61 = arith.constant 0 : i32
      %cond3A_62 = arith.cmpi ne, %convert_element_type3A_60, %cond3A_61 : i32
      scf.if %cond3A_62 {
        %dma_start3A_175 = arith.constant 0 : i32
        %dma_start3A_176 = tpu.memref_slice %arg11[%dma_start3A_175] : memref<4096xf32, #tpu.memory_space<vmem>> -> memref<512xf32, #tpu.memory_space<vmem>>
        %dma_start3A_177 = arith.constant 0 : i32
        %dma_start3A_178 = tpu.memref_slice %arg5[%add3A_44, %dma_start3A_177] : memref<2048x2048xf32, #tpu.memory_space<hbm>> -> memref<1x512xf32, #tpu.memory_space<hbm>>
        %dma_start3A_179 = tpu.memref_squeeze %dma_start3A_178 : memref<1x512xf32, #tpu.memory_space<hbm>> -> memref<512xf32, #tpu.memory_space<hbm>>
        %dma_start3A_180 = arith.constant 0 : i32
        %dma_start3A_181 = tpu.memref_slice %arg5[%add3A_44, %dma_start3A_180] : memref<2048x2048xf32, #tpu.memory_space<hbm>> -> memref<1x512xf32, #tpu.memory_space<hbm>>
        %dma_start3A_182 = tpu.memref_squeeze %dma_start3A_181 : memref<1x512xf32, #tpu.memory_space<hbm>> -> memref<512xf32, #tpu.memory_space<hbm>>
        %dma_start3A_183 = arith.constant 0 : i32
        %dma_start3A_184 = tpu.memref_slice %arg11[%dma_start3A_183] : memref<4096xf32, #tpu.memory_space<vmem>> -> memref<512xf32, #tpu.memory_space<vmem>>
        tpu.enqueue_dma source(%dma_start3A_184 : memref<512xf32, #tpu.memory_space<vmem>>) target(%dma_start3A_182 : memref<512xf32, #tpu.memory_space<hbm>>) target_semaphore(%arg14 : memref<!tpu.dma_semaphore, #tpu.memory_space<semaphore_mem>>)
      } else {
      }
      %shift_right_arithmetic3A_63 = arith.constant 9 : i32
      %shift_right_arithmetic3A_64 = arith.shrsi %add3A_44, %shift_right_arithmetic3A_63 : i32
      %eq3A_65 = arith.constant 1 : i32
      %eq3A_66 = arith.cmpi eq, %shift_right_arithmetic3A_64, %eq3A_65 : i32
      %convert_element_type3A_67 = arith.extui %eq3A_66 : i1 to i32
      %cond3A_68 = arith.constant 0 : i32
      %cond3A_69 = arith.cmpi ne, %convert_element_type3A_67, %cond3A_68 : i32
      scf.if %cond3A_69 {
        %dma_start3A_175 = arith.constant 0 : i32
        %dma_start3A_176 = tpu.memref_slice %arg11[%dma_start3A_175] : memref<4096xf32, #tpu.memory_space<vmem>> -> memref<1024xf32, #tpu.memory_space<vmem>>
        %dma_start3A_177 = arith.constant 0 : i32
        %dma_start3A_178 = tpu.memref_slice %arg5[%add3A_44, %dma_start3A_177] : memref<2048x2048xf32, #tpu.memory_space<hbm>> -> memref<1x1024xf32, #tpu.memory_space<hbm>>
        %dma_start3A_179 = tpu.memref_squeeze %dma_start3A_178 : memref<1x1024xf32, #tpu.memory_space<hbm>> -> memref<1024xf32, #tpu.memory_space<hbm>>
        %dma_start3A_180 = arith.constant 0 : i32
        %dma_start3A_181 = tpu.memref_slice %arg5[%add3A_44, %dma_start3A_180] : memref<2048x2048xf32, #tpu.memory_space<hbm>> -> memref<1x1024xf32, #tpu.memory_space<hbm>>
        %dma_start3A_182 = tpu.memref_squeeze %dma_start3A_181 : memref<1x1024xf32, #tpu.memory_space<hbm>> -> memref<1024xf32, #tpu.memory_space<hbm>>
        %dma_start3A_183 = arith.constant 0 : i32
        %dma_start3A_184 = tpu.memref_slice %arg11[%dma_start3A_183] : memref<4096xf32, #tpu.memory_space<vmem>> -> memref<1024xf32, #tpu.memory_space<vmem>>
        tpu.enqueue_dma source(%dma_start3A_184 : memref<1024xf32, #tpu.memory_space<vmem>>) target(%dma_start3A_182 : memref<1024xf32, #tpu.memory_space<hbm>>) target_semaphore(%arg14 : memref<!tpu.dma_semaphore, #tpu.memory_space<semaphore_mem>>)
      } else {
      }
      %shift_right_arithmetic3A_70 = arith.constant 9 : i32
      %shift_right_arithmetic3A_71 = arith.shrsi %add3A_44, %shift_right_arithmetic3A_70 : i32
      %eq3A_72 = arith.constant 2 : i32
      %eq3A_73 = arith.cmpi eq, %shift_right_arithmetic3A_71, %eq3A_72 : i32
      %convert_element_type3A_74 = arith.extui %eq3A_73 : i1 to i32
      %cond3A_75 = arith.constant 0 : i32
      %cond3A_76 = arith.cmpi ne, %convert_element_type3A_74, %cond3A_75 : i32
      scf.if %cond3A_76 {
        %dma_start3A_175 = arith.constant 0 : i32
        %dma_start3A_176 = tpu.memref_slice %arg11[%dma_start3A_175] : memref<4096xf32, #tpu.memory_space<vmem>> -> memref<1536xf32, #tpu.memory_space<vmem>>
        %dma_start3A_177 = arith.constant 0 : i32
        %dma_start3A_178 = tpu.memref_slice %arg5[%add3A_44, %dma_start3A_177] : memref<2048x2048xf32, #tpu.memory_space<hbm>> -> memref<1x1536xf32, #tpu.memory_space<hbm>>
        %dma_start3A_179 = tpu.memref_squeeze %dma_start3A_178 : memref<1x1536xf32, #tpu.memory_space<hbm>> -> memref<1536xf32, #tpu.memory_space<hbm>>
        %dma_start3A_180 = arith.constant 0 : i32
        %dma_start3A_181 = tpu.memref_slice %arg5[%add3A_44, %dma_start3A_180] : memref<2048x2048xf32, #tpu.memory_space<hbm>> -> memref<1x1536xf32, #tpu.memory_space<hbm>>
        %dma_start3A_182 = tpu.memref_squeeze %dma_start3A_181 : memref<1x1536xf32, #tpu.memory_space<hbm>> -> memref<1536xf32, #tpu.memory_space<hbm>>
        %dma_start3A_183 = arith.constant 0 : i32
        %dma_start3A_184 = tpu.memref_slice %arg11[%dma_start3A_183] : memref<4096xf32, #tpu.memory_space<vmem>> -> memref<1536xf32, #tpu.memory_space<vmem>>
        tpu.enqueue_dma source(%dma_start3A_184 : memref<1536xf32, #tpu.memory_space<vmem>>) target(%dma_start3A_182 : memref<1536xf32, #tpu.memory_space<hbm>>) target_semaphore(%arg14 : memref<!tpu.dma_semaphore, #tpu.memory_space<semaphore_mem>>)
      } else {
      }
      %shift_right_arithmetic3A_77 = arith.constant 9 : i32
      %shift_right_arithmetic3A_78 = arith.shrsi %add3A_44, %shift_right_arithmetic3A_77 : i32
      %eq3A_79 = arith.constant 3 : i32
      %eq3A_80 = arith.cmpi eq, %shift_right_arithmetic3A_78, %eq3A_79 : i32
      %convert_element_type3A_81 = arith.extui %eq3A_80 : i1 to i32
      %cond3A_82 = arith.constant 0 : i32
      %cond3A_83 = arith.cmpi ne, %convert_element_type3A_81, %cond3A_82 : i32
      scf.if %cond3A_83 {
        %dma_start3A_175 = arith.constant 0 : i32
        %dma_start3A_176 = tpu.memref_slice %arg11[%dma_start3A_175] : memref<4096xf32, #tpu.memory_space<vmem>> -> memref<2048xf32, #tpu.memory_space<vmem>>
        %dma_start3A_177 = arith.constant 0 : i32
        %dma_start3A_178 = tpu.memref_slice %arg5[%add3A_44, %dma_start3A_177] : memref<2048x2048xf32, #tpu.memory_space<hbm>> -> memref<1x2048xf32, #tpu.memory_space<hbm>>
        %dma_start3A_179 = tpu.memref_squeeze %dma_start3A_178 : memref<1x2048xf32, #tpu.memory_space<hbm>> -> memref<2048xf32, #tpu.memory_space<hbm>>
        %dma_start3A_180 = arith.constant 0 : i32
        %dma_start3A_181 = tpu.memref_slice %arg5[%add3A_44, %dma_start3A_180] : memref<2048x2048xf32, #tpu.memory_space<hbm>> -> memref<1x2048xf32, #tpu.memory_space<hbm>>
        %dma_start3A_182 = tpu.memref_squeeze %dma_start3A_181 : memref<1x2048xf32, #tpu.memory_space<hbm>> -> memref<2048xf32, #tpu.memory_space<hbm>>
        %dma_start3A_183 = arith.constant 0 : i32
        %dma_start3A_184 = tpu.memref_slice %arg11[%dma_start3A_183] : memref<4096xf32, #tpu.memory_space<vmem>> -> memref<2048xf32, #tpu.memory_space<vmem>>
        tpu.enqueue_dma source(%dma_start3A_184 : memref<2048xf32, #tpu.memory_space<vmem>>) target(%dma_start3A_182 : memref<2048xf32, #tpu.memory_space<hbm>>) target_semaphore(%arg14 : memref<!tpu.dma_semaphore, #tpu.memory_space<semaphore_mem>>)
      } else {
      }
      %gt3A = arith.constant 0 : i32
      %gt3A_84 = arith.cmpi sgt, %scan3A_36, %gt3A : i32
      %convert_element_type3A_85 = arith.extui %gt3A_84 : i1 to i32
      %cond3A_86 = arith.constant 0 : i32
      %cond3A_87 = arith.cmpi ne, %convert_element_type3A_85, %cond3A_86 : i32
      scf.if %cond3A_87 {
        %sub3A_175 = arith.constant 32 : i32
        %sub3A_176 = arith.subi %add3A_44, %sub3A_175 : i32
        %shift_right_arithmetic3A_177 = arith.constant 9 : i32
        %shift_right_arithmetic3A_178 = arith.shrsi %sub3A_176, %shift_right_arithmetic3A_177 : i32
        %eq3A_179 = arith.constant 0 : i32
        %eq3A_180 = arith.cmpi eq, %shift_right_arithmetic3A_178, %eq3A_179 : i32
        %convert_element_type3A_181 = arith.extui %eq3A_180 : i1 to i32
        %cond3A_182 = arith.constant 0 : i32
        %cond3A_183 = arith.cmpi ne, %convert_element_type3A_181, %cond3A_182 : i32
        scf.if %cond3A_183 {
          %dma_wait3A_205 = arith.constant 0 : i32
          %dma_wait3A_206 = tpu.memref_slice %arg12[%dma_wait3A_205] : memref<4096xf32, #tpu.memory_space<vmem>> -> memref<512xf32, #tpu.memory_space<vmem>>
          %dma_wait3A_207 = arith.constant 0 : i32
          %dma_wait3A_208 = tpu.memref_slice %arg5[%sub3A_176, %dma_wait3A_207] : memref<2048x2048xf32, #tpu.memory_space<hbm>> -> memref<1x512xf32, #tpu.memory_space<hbm>>
          %dma_wait3A_209 = tpu.memref_squeeze %dma_wait3A_208 : memref<1x512xf32, #tpu.memory_space<hbm>> -> memref<512xf32, #tpu.memory_space<hbm>>
          %dma_wait3A_210 = arith.constant 0 : i32
          %dma_wait3A_211 = tpu.memref_slice %arg5[%sub3A_176, %dma_wait3A_210] : memref<2048x2048xf32, #tpu.memory_space<hbm>> -> memref<1x512xf32, #tpu.memory_space<hbm>>
          %dma_wait3A_212 = tpu.memref_squeeze %dma_wait3A_211 : memref<1x512xf32, #tpu.memory_space<hbm>> -> memref<512xf32, #tpu.memory_space<hbm>>
          %dma_wait3A_213 = arith.constant 0 : i32
          %dma_wait3A_214 = tpu.memref_slice %arg12[%dma_wait3A_213] : memref<4096xf32, #tpu.memory_space<vmem>> -> memref<512xf32, #tpu.memory_space<vmem>>
          tpu.wait_dma2 semaphore(%arg15 : memref<!tpu.dma_semaphore, #tpu.memory_space<semaphore_mem>>) src(%dma_wait3A_214 : memref<512xf32, #tpu.memory_space<vmem>>) dst(%dma_wait3A_212 : memref<512xf32, #tpu.memory_space<hbm>>)
        } else {
        }
        %shift_right_arithmetic3A_184 = arith.constant 9 : i32
        %shift_right_arithmetic3A_185 = arith.shrsi %sub3A_176, %shift_right_arithmetic3A_184 : i32
        %eq3A_186 = arith.constant 1 : i32
        %eq3A_187 = arith.cmpi eq, %shift_right_arithmetic3A_185, %eq3A_186 : i32
        %convert_element_type3A_188 = arith.extui %eq3A_187 : i1 to i32
        %cond3A_189 = arith.constant 0 : i32
        %cond3A_190 = arith.cmpi ne, %convert_element_type3A_188, %cond3A_189 : i32
        scf.if %cond3A_190 {
          %dma_wait3A_205 = arith.constant 0 : i32
          %dma_wait3A_206 = tpu.memref_slice %arg12[%dma_wait3A_205] : memref<4096xf32, #tpu.memory_space<vmem>> -> memref<1024xf32, #tpu.memory_space<vmem>>
          %dma_wait3A_207 = arith.constant 0 : i32
          %dma_wait3A_208 = tpu.memref_slice %arg5[%sub3A_176, %dma_wait3A_207] : memref<2048x2048xf32, #tpu.memory_space<hbm>> -> memref<1x1024xf32, #tpu.memory_space<hbm>>
          %dma_wait3A_209 = tpu.memref_squeeze %dma_wait3A_208 : memref<1x1024xf32, #tpu.memory_space<hbm>> -> memref<1024xf32, #tpu.memory_space<hbm>>
          %dma_wait3A_210 = arith.constant 0 : i32
          %dma_wait3A_211 = tpu.memref_slice %arg5[%sub3A_176, %dma_wait3A_210] : memref<2048x2048xf32, #tpu.memory_space<hbm>> -> memref<1x1024xf32, #tpu.memory_space<hbm>>
          %dma_wait3A_212 = tpu.memref_squeeze %dma_wait3A_211 : memref<1x1024xf32, #tpu.memory_space<hbm>> -> memref<1024xf32, #tpu.memory_space<hbm>>
          %dma_wait3A_213 = arith.constant 0 : i32
          %dma_wait3A_214 = tpu.memref_slice %arg12[%dma_wait3A_213] : memref<4096xf32, #tpu.memory_space<vmem>> -> memref<1024xf32, #tpu.memory_space<vmem>>
          tpu.wait_dma2 semaphore(%arg15 : memref<!tpu.dma_semaphore, #tpu.memory_space<semaphore_mem>>) src(%dma_wait3A_214 : memref<1024xf32, #tpu.memory_space<vmem>>) dst(%dma_wait3A_212 : memref<1024xf32, #tpu.memory_space<hbm>>)
        } else {
        }
        %shift_right_arithmetic3A_191 = arith.constant 9 : i32
        %shift_right_arithmetic3A_192 = arith.shrsi %sub3A_176, %shift_right_arithmetic3A_191 : i32
        %eq3A_193 = arith.constant 2 : i32
        %eq3A_194 = arith.cmpi eq, %shift_right_arithmetic3A_192, %eq3A_193 : i32
        %convert_element_type3A_195 = arith.extui %eq3A_194 : i1 to i32
        %cond3A_196 = arith.constant 0 : i32
        %cond3A_197 = arith.cmpi ne, %convert_element_type3A_195, %cond3A_196 : i32
        scf.if %cond3A_197 {
          %dma_wait3A_205 = arith.constant 0 : i32
          %dma_wait3A_206 = tpu.memref_slice %arg12[%dma_wait3A_205] : memref<4096xf32, #tpu.memory_space<vmem>> -> memref<1536xf32, #tpu.memory_space<vmem>>
          %dma_wait3A_207 = arith.constant 0 : i32
          %dma_wait3A_208 = tpu.memref_slice %arg5[%sub3A_176, %dma_wait3A_207] : memref<2048x2048xf32, #tpu.memory_space<hbm>> -> memref<1x1536xf32, #tpu.memory_space<hbm>>
          %dma_wait3A_209 = tpu.memref_squeeze %dma_wait3A_208 : memref<1x1536xf32, #tpu.memory_space<hbm>> -> memref<1536xf32, #tpu.memory_space<hbm>>
          %dma_wait3A_210 = arith.constant 0 : i32
          %dma_wait3A_211 = tpu.memref_slice %arg5[%sub3A_176, %dma_wait3A_210] : memref<2048x2048xf32, #tpu.memory_space<hbm>> -> memref<1x1536xf32, #tpu.memory_space<hbm>>
          %dma_wait3A_212 = tpu.memref_squeeze %dma_wait3A_211 : memref<1x1536xf32, #tpu.memory_space<hbm>> -> memref<1536xf32, #tpu.memory_space<hbm>>
          %dma_wait3A_213 = arith.constant 0 : i32
          %dma_wait3A_214 = tpu.memref_slice %arg12[%dma_wait3A_213] : memref<4096xf32, #tpu.memory_space<vmem>> -> memref<1536xf32, #tpu.memory_space<vmem>>
          tpu.wait_dma2 semaphore(%arg15 : memref<!tpu.dma_semaphore, #tpu.memory_space<semaphore_mem>>) src(%dma_wait3A_214 : memref<1536xf32, #tpu.memory_space<vmem>>) dst(%dma_wait3A_212 : memref<1536xf32, #tpu.memory_space<hbm>>)
        } else {
        }
        %shift_right_arithmetic3A_198 = arith.constant 9 : i32
        %shift_right_arithmetic3A_199 = arith.shrsi %sub3A_176, %shift_right_arithmetic3A_198 : i32
        %eq3A_200 = arith.constant 3 : i32
        %eq3A_201 = arith.cmpi eq, %shift_right_arithmetic3A_199, %eq3A_200 : i32
        %convert_element_type3A_202 = arith.extui %eq3A_201 : i1 to i32
        %cond3A_203 = arith.constant 0 : i32
        %cond3A_204 = arith.cmpi ne, %convert_element_type3A_202, %cond3A_203 : i32
        scf.if %cond3A_204 {
          %dma_wait3A_205 = arith.constant 0 : i32
          %dma_wait3A_206 = tpu.memref_slice %arg12[%dma_wait3A_205] : memref<4096xf32, #tpu.memory_space<vmem>> -> memref<2048xf32, #tpu.memory_space<vmem>>
          %dma_wait3A_207 = arith.constant 0 : i32
          %dma_wait3A_208 = tpu.memref_slice %arg5[%sub3A_176, %dma_wait3A_207] : memref<2048x2048xf32, #tpu.memory_space<hbm>> -> memref<1x2048xf32, #tpu.memory_space<hbm>>
          %dma_wait3A_209 = tpu.memref_squeeze %dma_wait3A_208 : memref<1x2048xf32, #tpu.memory_space<hbm>> -> memref<2048xf32, #tpu.memory_space<hbm>>
          %dma_wait3A_210 = arith.constant 0 : i32
          %dma_wait3A_211 = tpu.memref_slice %arg5[%sub3A_176, %dma_wait3A_210] : memref<2048x2048xf32, #tpu.memory_space<hbm>> -> memref<1x2048xf32, #tpu.memory_space<hbm>>
          %dma_wait3A_212 = tpu.memref_squeeze %dma_wait3A_211 : memref<1x2048xf32, #tpu.memory_space<hbm>> -> memref<2048xf32, #tpu.memory_space<hbm>>
          %dma_wait3A_213 = arith.constant 0 : i32
          %dma_wait3A_214 = tpu.memref_slice %arg12[%dma_wait3A_213] : memref<4096xf32, #tpu.memory_space<vmem>> -> memref<2048xf32, #tpu.memory_space<vmem>>
          tpu.wait_dma2 semaphore(%arg15 : memref<!tpu.dma_semaphore, #tpu.memory_space<semaphore_mem>>) src(%dma_wait3A_214 : memref<2048xf32, #tpu.memory_space<vmem>>) dst(%dma_wait3A_212 : memref<2048xf32, #tpu.memory_space<hbm>>)
        } else {
        }
      } else {
      }
      %mul3A_88 = arith.constant 2 : i32
      %mul3A_89 = arith.muli %mul3A_88, %scan3A_36 : i32
      %add3A_90 = arith.constant 1 : i32
      %add3A_91 = arith.addi %mul3A_89, %add3A_90 : i32
      %div3A_92 = arith.constant 8 : i32
      %div3A_93 = arith.divsi %add3A_91, %div3A_92 : i32
      %mul3A_94 = arith.constant 8 : i32
      %mul3A_95 = arith.muli %div3A_93, %mul3A_94 : i32
      %sub3A_96 = arith.subi %add3A_91, %mul3A_95 : i32
      %mul3A_97 = arith.constant 32 : i32
      %mul3A_98 = arith.muli %add3A_91, %mul3A_97 : i32
      %add3A_99 = arith.addi %add3A, %mul3A_98 : i32
      %broadcast_in_dim3A_100 = vector.broadcast %sub3A_96 : i32 to vector<16xi32>
      %and3A_101 = arith.constant 1 : i32
      %and3A_102 = arith.andi %div3A_93, %and3A_101 : i32
      %broadcast_in_dim3A_103 = vector.broadcast %and3A_102 : i32 to vector<16xi32>
      %eq3A_104 = arith.constant 0 : i32
      %eq3A_105 = arith.cmpi eq, %sub3A_96, %eq3A_104 : i32
      %convert_element_type3A_106 = arith.extui %eq3A_105 : i1 to i32
      %cond3A_107 = arith.constant 0 : i32
      %cond3A_108 = arith.cmpi ne, %convert_element_type3A_106, %cond3A_107 : i32
      scf.if %cond3A_108 {
        %dma_wait3A_175 = arith.constant 0 : i32
        %dma_wait3A_176 = arith.constant 0 : i32
        %dma_wait3A_177 = arith.constant 0 : i32
        %dma_wait3A_178 = tpu.memref_slice %arg10[%dma_wait3A_175, %dma_wait3A_176, %dma_wait3A_177] : memref<2x8x4096xf32, #tpu.memory_space<vmem>> -> memref<1x8x4096xf32, #tpu.memory_space<vmem>>
        %dma_wait3A_179 = tpu.memref_squeeze %dma_wait3A_178 : memref<1x8x4096xf32, #tpu.memory_space<vmem>> -> memref<8x4096xf32, #tpu.memory_space<vmem>>
        %dma_wait3A_180 = arith.constant 0 : i32
        %dma_wait3A_181 = tpu.memref_slice %arg8[%dma_wait3A_180] : memref<16xi32, #tpu.memory_space<vmem>> -> memref<8xi32, #tpu.memory_space<vmem>>
        %dma_wait3A_182 = arith.constant 0 : i32
        %dma_wait3A_183 = arith.constant 0 : i32
        %dma_wait3A_184 = tpu.memref_slice %arg4[%dma_wait3A_182, %dma_wait3A_183] : memref<4096x4096xf32, #tpu.memory_space<hbm>> -> memref<4096x4096xf32, #tpu.memory_space<hbm>>
        tpu.wait_indirect_dma semaphore(%arg13 : memref<!tpu.dma_semaphore, #tpu.memory_space<semaphore_mem>>) src(%dma_wait3A_184 : memref<4096x4096xf32, #tpu.memory_space<hbm>>) dst(%dma_wait3A_179 : memref<8x4096xf32, #tpu.memory_space<vmem>>)
        %lt3A = arith.constant 7 : i32
        %lt3A_185 = arith.cmpi slt, %div3A_93, %lt3A : i32
        %and3A_186 = arith.constant 1 : i32
        %and3A_187 = arith.andi %div3A_93, %and3A_186 : i32
        %eq3A_188 = arith.constant 0 : i32
        %eq3A_189 = arith.cmpi eq, %and3A_187, %eq3A_188 : i32
        %and3A_190 = arith.andi %lt3A_185, %eq3A_189 : i1
        %convert_element_type3A_191 = arith.extui %and3A_190 : i1 to i32
        %cond3A_192 = arith.constant 0 : i32
        %cond3A_193 = arith.cmpi ne, %convert_element_type3A_191, %cond3A_192 : i32
        scf.if %cond3A_193 {
          %add3A_204 = arith.constant 1 : i32
          %add3A_205 = arith.addi %div3A_93, %add3A_204 : i32
          %mul3A_206 = arith.constant 8 : i32
          %mul3A_207 = arith.muli %add3A_205, %mul3A_206 : i32
          %add3A_208 = vector.broadcast %mul3A_207 : i32 to vector<16xi32>
          %add3A_209 = arith.addi %add3A_208, %iota3A : vector<16xi32>
          %min3A_210 = arith.constant 63 : i32
          %min3A_211 = vector.broadcast %min3A_210 : i32 to vector<16xi32>
          %min3A_212 = arith.minsi %add3A_209, %min3A_211 : vector<16xi32>
          %mul3A_213 = arith.constant 32 : i32
          %mul3A_214 = vector.broadcast %mul3A_213 : i32 to vector<16xi32>
          %mul3A_215 = arith.muli %min3A_212, %mul3A_214 : vector<16xi32>
          %add3A_216 = vector.broadcast %add3A : i32 to vector<16xi32>
          %add3A_217 = arith.addi %add3A_216, %mul3A_215 : vector<16xi32>
          %gather3A_218 = tpu.vector_load_idx %arg7[%add3A_217] : memref<2048xi32, #tpu.memory_space<vmem>>[vector<16xi32>], vector<16xi32>,
          %swap3A_219 = arith.constant 0 : index
          %swap3A_220 = tpu.vector_load %arg9[%swap3A_219] {strides = array<i32>} : memref<16xi32, #tpu.memory_space<vmem>>, vector<16xi32>,
          tpu.vector_store %arg9[%swap3A_219], %gather3A_218 {strides = array<i32>} : memref<16xi32, #tpu.memory_space<vmem>>, vector<16xi32>,
          %dma_start3A_221 = arith.constant 1 : i32
          %dma_start3A_222 = arith.constant 0 : i32
          %dma_start3A_223 = arith.constant 0 : i32
          %dma_start3A_224 = tpu.memref_slice %arg10[%dma_start3A_221, %dma_start3A_222, %dma_start3A_223] : memref<2x8x4096xf32, #tpu.memory_space<vmem>> -> memref<1x8x4096xf32, #tpu.memory_space<vmem>>
          %dma_start3A_225 = tpu.memref_squeeze %dma_start3A_224 : memref<1x8x4096xf32, #tpu.memory_space<vmem>> -> memref<8x4096xf32, #tpu.memory_space<vmem>>
          %dma_start3A_226 = arith.constant 0 : i32
          %dma_start3A_227 = tpu.memref_slice %arg9[%dma_start3A_226] : memref<16xi32, #tpu.memory_space<vmem>> -> memref<8xi32, #tpu.memory_space<vmem>>
          %dma_start3A_228 = arith.constant 0 : i32
          %dma_start3A_229 = arith.constant 0 : i32
          %dma_start3A_230 = tpu.memref_slice %arg4[%dma_start3A_228, %dma_start3A_229] : memref<4096x4096xf32, #tpu.memory_space<hbm>> -> memref<4096x4096xf32, #tpu.memory_space<hbm>>
          tpu.enqueue_indirect_dma source(%dma_start3A_230 : memref<4096x4096xf32, #tpu.memory_space<hbm>>) target(%dma_start3A_225 : memref<8x4096xf32, #tpu.memory_space<vmem>>) offsets(%dma_start3A_227 : memref<8xi32, #tpu.memory_space<vmem>>) semaphore(%arg13 : memref<!tpu.dma_semaphore, #tpu.memory_space<semaphore_mem>>)
        } else {
        }
        %lt3A_194 = arith.constant 7 : i32
        %lt3A_195 = arith.cmpi slt, %div3A_93, %lt3A_194 : i32
        %and3A_196 = arith.constant 1 : i32
        %and3A_197 = arith.andi %div3A_93, %and3A_196 : i32
        %eq3A_198 = arith.constant 1 : i32
        %eq3A_199 = arith.cmpi eq, %and3A_197, %eq3A_198 : i32
        %and3A_200 = arith.andi %lt3A_195, %eq3A_199 : i1
        %convert_element_type3A_201 = arith.extui %and3A_200 : i1 to i32
        %cond3A_202 = arith.constant 0 : i32
        %cond3A_203 = arith.cmpi ne, %convert_element_type3A_201, %cond3A_202 : i32
        scf.if %cond3A_203 {
          %add3A_204 = arith.constant 1 : i32
          %add3A_205 = arith.addi %div3A_93, %add3A_204 : i32
          %mul3A_206 = arith.constant 8 : i32
          %mul3A_207 = arith.muli %add3A_205, %mul3A_206 : i32
          %add3A_208 = vector.broadcast %mul3A_207 : i32 to vector<16xi32>
          %add3A_209 = arith.addi %add3A_208, %iota3A : vector<16xi32>
          %min3A_210 = arith.constant 63 : i32
          %min3A_211 = vector.broadcast %min3A_210 : i32 to vector<16xi32>
          %min3A_212 = arith.minsi %add3A_209, %min3A_211 : vector<16xi32>
          %mul3A_213 = arith.constant 32 : i32
          %mul3A_214 = vector.broadcast %mul3A_213 : i32 to vector<16xi32>
          %mul3A_215 = arith.muli %min3A_212, %mul3A_214 : vector<16xi32>
          %add3A_216 = vector.broadcast %add3A : i32 to vector<16xi32>
          %add3A_217 = arith.addi %add3A_216, %mul3A_215 : vector<16xi32>
          %gather3A_218 = tpu.vector_load_idx %arg7[%add3A_217] : memref<2048xi32, #tpu.memory_space<vmem>>[vector<16xi32>], vector<16xi32>,
          %swap3A_219 = arith.constant 0 : index
          %swap3A_220 = tpu.vector_load %arg8[%swap3A_219] {strides = array<i32>} : memref<16xi32, #tpu.memory_space<vmem>>, vector<16xi32>,
          tpu.vector_store %arg8[%swap3A_219], %gather3A_218 {strides = array<i32>} : memref<16xi32, #tpu.memory_space<vmem>>, vector<16xi32>,
          %dma_start3A_221 = arith.constant 0 : i32
          %dma_start3A_222 = arith.constant 0 : i32
          %dma_start3A_223 = arith.constant 0 : i32
          %dma_start3A_224 = tpu.memref_slice %arg10[%dma_start3A_221, %dma_start3A_222, %dma_start3A_223] : memref<2x8x4096xf32, #tpu.memory_space<vmem>> -> memref<1x8x4096xf32, #tpu.memory_space<vmem>>
          %dma_start3A_225 = tpu.memref_squeeze %dma_start3A_224 : memref<1x8x4096xf32, #tpu.memory_space<vmem>> -> memref<8x4096xf32, #tpu.memory_space<vmem>>
          %dma_start3A_226 = arith.constant 0 : i32
          %dma_start3A_227 = tpu.memref_slice %arg8[%dma_start3A_226] : memref<16xi32, #tpu.memory_space<vmem>> -> memref<8xi32, #tpu.memory_space<vmem>>
          %dma_start3A_228 = arith.constant 0 : i32
          %dma_start3A_229 = arith.constant 0 : i32
          %dma_start3A_230 = tpu.memref_slice %arg4[%dma_start3A_228, %dma_start3A_229] : memref<4096x4096xf32, #tpu.memory_space<hbm>> -> memref<4096x4096xf32, #tpu.memory_space<hbm>>
          tpu.enqueue_indirect_dma source(%dma_start3A_230 : memref<4096x4096xf32, #tpu.memory_space<hbm>>) target(%dma_start3A_225 : memref<8x4096xf32, #tpu.memory_space<vmem>>) offsets(%dma_start3A_227 : memref<8xi32, #tpu.memory_space<vmem>>) semaphore(%arg13 : memref<!tpu.dma_semaphore, #tpu.memory_space<semaphore_mem>>)
        } else {
        }
      } else {
      }
      %add3A_109 = arith.constant 1 : i32
      %add3A_110 = arith.addi %add3A_99, %add3A_109 : i32
      %shift_right_arithmetic3A_111 = arith.constant 7 : i32
      %shift_right_arithmetic3A_112 = arith.shrsi %add3A_110, %shift_right_arithmetic3A_111 : i32
      %shift_left3A_113 = arith.constant 3 : i32
      %shift_left3A_114 = arith.shli %shift_right_arithmetic3A_112, %shift_left3A_113 : i32
      %add3A_115 = arith.constant 16 : i32
      %add3A_116 = arith.addi %shift_left3A_114, %add3A_115 : i32
      %parallel_loop3A_117 = arith.constant 0 : i32
      %parallel_loop3A_118 = arith.constant 1 : i32
      scf.for %parallel_loop3A_175 = %parallel_loop3A_117 to %add3A_116 step %parallel_loop3A_118  : i32 {
        %parallel_loop3A_176 = arith.constant 16 : i32
        %parallel_loop3A_177 = arith.muli %parallel_loop3A_175, %parallel_loop3A_176 : i32
        %parallel_loop3A_178 = arith.index_cast %parallel_loop3A_177 : i32 to index
        %parallel_loop3A_179 = tpu.vector_load %arg6[%parallel_loop3A_178] {strides = array<i32>} : memref<4096xi32, #tpu.memory_space<vmem>>, vector<16xi32>,
        %parallel_loop3A_180 = tpu.vector_load_idx %arg10[%broadcast_in_dim3A_103, %broadcast_in_dim3A_100, %parallel_loop3A_179] : memref<2x8x4096xf32, #tpu.memory_space<vmem>>[vector<16xi32>, vector<16xi32>, vector<16xi32>], vector<16xf32>,
        %parallel_loop3A_181 = arith.constant 1.000000e+00 : f32
        %parallel_loop3A_182 = vector.broadcast %parallel_loop3A_181 : f32 to vector<16xf32>
        %parallel_loop3A_183 = arith.divf %parallel_loop3A_182, %parallel_loop3A_180 : vector<16xf32>
        %parallel_loop3A_184 = arith.constant 16 : i32
        %parallel_loop3A_185 = arith.muli %parallel_loop3A_175, %parallel_loop3A_184 : i32
        %parallel_loop3A_186 = arith.index_cast %parallel_loop3A_185 : i32 to index
        %parallel_loop3A_187 = tpu.vector_load %arg12[%parallel_loop3A_186] {strides = array<i32>} : memref<4096xf32, #tpu.memory_space<vmem>>, vector<16xf32>,
        tpu.vector_store %arg12[%parallel_loop3A_186], %parallel_loop3A_183 {strides = array<i32>} : memref<4096xf32, #tpu.memory_space<vmem>>, vector<16xf32>,
      } {sc.loop_unroll_factor = 8 : i64, sc.parallel_access}
      %shift_right_arithmetic3A_119 = arith.constant 9 : i32
      %shift_right_arithmetic3A_120 = arith.shrsi %add3A_99, %shift_right_arithmetic3A_119 : i32
      %eq3A_121 = arith.constant 0 : i32
      %eq3A_122 = arith.cmpi eq, %shift_right_arithmetic3A_120, %eq3A_121 : i32
      %convert_element_type3A_123 = arith.extui %eq3A_122 : i1 to i32
      %cond3A_124 = arith.constant 0 : i32
      %cond3A_125 = arith.cmpi ne, %convert_element_type3A_123, %cond3A_124 : i32
      scf.if %cond3A_125 {
        %dma_start3A_175 = arith.constant 0 : i32
        %dma_start3A_176 = tpu.memref_slice %arg12[%dma_start3A_175] : memref<4096xf32, #tpu.memory_space<vmem>> -> memref<512xf32, #tpu.memory_space<vmem>>
        %dma_start3A_177 = arith.constant 0 : i32
        %dma_start3A_178 = tpu.memref_slice %arg5[%add3A_99, %dma_start3A_177] : memref<2048x2048xf32, #tpu.memory_space<hbm>> -> memref<1x512xf32, #tpu.memory_space<hbm>>
        %dma_start3A_179 = tpu.memref_squeeze %dma_start3A_178 : memref<1x512xf32, #tpu.memory_space<hbm>> -> memref<512xf32, #tpu.memory_space<hbm>>
        %dma_start3A_180 = arith.constant 0 : i32
        %dma_start3A_181 = tpu.memref_slice %arg5[%add3A_99, %dma_start3A_180] : memref<2048x2048xf32, #tpu.memory_space<hbm>> -> memref<1x512xf32, #tpu.memory_space<hbm>>
        %dma_start3A_182 = tpu.memref_squeeze %dma_start3A_181 : memref<1x512xf32, #tpu.memory_space<hbm>> -> memref<512xf32, #tpu.memory_space<hbm>>
        %dma_start3A_183 = arith.constant 0 : i32
        %dma_start3A_184 = tpu.memref_slice %arg12[%dma_start3A_183] : memref<4096xf32, #tpu.memory_space<vmem>> -> memref<512xf32, #tpu.memory_space<vmem>>
        tpu.enqueue_dma source(%dma_start3A_184 : memref<512xf32, #tpu.memory_space<vmem>>) target(%dma_start3A_182 : memref<512xf32, #tpu.memory_space<hbm>>) target_semaphore(%arg15 : memref<!tpu.dma_semaphore, #tpu.memory_space<semaphore_mem>>)
      } else {
      }
      %shift_right_arithmetic3A_126 = arith.constant 9 : i32
      %shift_right_arithmetic3A_127 = arith.shrsi %add3A_99, %shift_right_arithmetic3A_126 : i32
      %eq3A_128 = arith.constant 1 : i32
      %eq3A_129 = arith.cmpi eq, %shift_right_arithmetic3A_127, %eq3A_128 : i32
      %convert_element_type3A_130 = arith.extui %eq3A_129 : i1 to i32
      %cond3A_131 = arith.constant 0 : i32
      %cond3A_132 = arith.cmpi ne, %convert_element_type3A_130, %cond3A_131 : i32
      scf.if %cond3A_132 {
        %dma_start3A_175 = arith.constant 0 : i32
        %dma_start3A_176 = tpu.memref_slice %arg12[%dma_start3A_175] : memref<4096xf32, #tpu.memory_space<vmem>> -> memref<1024xf32, #tpu.memory_space<vmem>>
        %dma_start3A_177 = arith.constant 0 : i32
        %dma_start3A_178 = tpu.memref_slice %arg5[%add3A_99, %dma_start3A_177] : memref<2048x2048xf32, #tpu.memory_space<hbm>> -> memref<1x1024xf32, #tpu.memory_space<hbm>>
        %dma_start3A_179 = tpu.memref_squeeze %dma_start3A_178 : memref<1x1024xf32, #tpu.memory_space<hbm>> -> memref<1024xf32, #tpu.memory_space<hbm>>
        %dma_start3A_180 = arith.constant 0 : i32
        %dma_start3A_181 = tpu.memref_slice %arg5[%add3A_99, %dma_start3A_180] : memref<2048x2048xf32, #tpu.memory_space<hbm>> -> memref<1x1024xf32, #tpu.memory_space<hbm>>
        %dma_start3A_182 = tpu.memref_squeeze %dma_start3A_181 : memref<1x1024xf32, #tpu.memory_space<hbm>> -> memref<1024xf32, #tpu.memory_space<hbm>>
        %dma_start3A_183 = arith.constant 0 : i32
        %dma_start3A_184 = tpu.memref_slice %arg12[%dma_start3A_183] : memref<4096xf32, #tpu.memory_space<vmem>> -> memref<1024xf32, #tpu.memory_space<vmem>>
        tpu.enqueue_dma source(%dma_start3A_184 : memref<1024xf32, #tpu.memory_space<vmem>>) target(%dma_start3A_182 : memref<1024xf32, #tpu.memory_space<hbm>>) target_semaphore(%arg15 : memref<!tpu.dma_semaphore, #tpu.memory_space<semaphore_mem>>)
      } else {
      }
      %shift_right_arithmetic3A_133 = arith.constant 9 : i32
      %shift_right_arithmetic3A_134 = arith.shrsi %add3A_99, %shift_right_arithmetic3A_133 : i32
      %eq3A_135 = arith.constant 2 : i32
      %eq3A_136 = arith.cmpi eq, %shift_right_arithmetic3A_134, %eq3A_135 : i32
      %convert_element_type3A_137 = arith.extui %eq3A_136 : i1 to i32
      %cond3A_138 = arith.constant 0 : i32
      %cond3A_139 = arith.cmpi ne, %convert_element_type3A_137, %cond3A_138 : i32
      scf.if %cond3A_139 {
        %dma_start3A_175 = arith.constant 0 : i32
        %dma_start3A_176 = tpu.memref_slice %arg12[%dma_start3A_175] : memref<4096xf32, #tpu.memory_space<vmem>> -> memref<1536xf32, #tpu.memory_space<vmem>>
        %dma_start3A_177 = arith.constant 0 : i32
        %dma_start3A_178 = tpu.memref_slice %arg5[%add3A_99, %dma_start3A_177] : memref<2048x2048xf32, #tpu.memory_space<hbm>> -> memref<1x1536xf32, #tpu.memory_space<hbm>>
        %dma_start3A_179 = tpu.memref_squeeze %dma_start3A_178 : memref<1x1536xf32, #tpu.memory_space<hbm>> -> memref<1536xf32, #tpu.memory_space<hbm>>
        %dma_start3A_180 = arith.constant 0 : i32
        %dma_start3A_181 = tpu.memref_slice %arg5[%add3A_99, %dma_start3A_180] : memref<2048x2048xf32, #tpu.memory_space<hbm>> -> memref<1x1536xf32, #tpu.memory_space<hbm>>
        %dma_start3A_182 = tpu.memref_squeeze %dma_start3A_181 : memref<1x1536xf32, #tpu.memory_space<hbm>> -> memref<1536xf32, #tpu.memory_space<hbm>>
        %dma_start3A_183 = arith.constant 0 : i32
        %dma_start3A_184 = tpu.memref_slice %arg12[%dma_start3A_183] : memref<4096xf32, #tpu.memory_space<vmem>> -> memref<1536xf32, #tpu.memory_space<vmem>>
        tpu.enqueue_dma source(%dma_start3A_184 : memref<1536xf32, #tpu.memory_space<vmem>>) target(%dma_start3A_182 : memref<1536xf32, #tpu.memory_space<hbm>>) target_semaphore(%arg15 : memref<!tpu.dma_semaphore, #tpu.memory_space<semaphore_mem>>)
      } else {
      }
      %shift_right_arithmetic3A_140 = arith.constant 9 : i32
      %shift_right_arithmetic3A_141 = arith.shrsi %add3A_99, %shift_right_arithmetic3A_140 : i32
      %eq3A_142 = arith.constant 3 : i32
      %eq3A_143 = arith.cmpi eq, %shift_right_arithmetic3A_141, %eq3A_142 : i32
      %convert_element_type3A_144 = arith.extui %eq3A_143 : i1 to i32
      %cond3A_145 = arith.constant 0 : i32
      %cond3A_146 = arith.cmpi ne, %convert_element_type3A_144, %cond3A_145 : i32
      scf.if %cond3A_146 {
        %dma_start3A_175 = arith.constant 0 : i32
        %dma_start3A_176 = tpu.memref_slice %arg12[%dma_start3A_175] : memref<4096xf32, #tpu.memory_space<vmem>> -> memref<2048xf32, #tpu.memory_space<vmem>>
        %dma_start3A_177 = arith.constant 0 : i32
        %dma_start3A_178 = tpu.memref_slice %arg5[%add3A_99, %dma_start3A_177] : memref<2048x2048xf32, #tpu.memory_space<hbm>> -> memref<1x2048xf32, #tpu.memory_space<hbm>>
        %dma_start3A_179 = tpu.memref_squeeze %dma_start3A_178 : memref<1x2048xf32, #tpu.memory_space<hbm>> -> memref<2048xf32, #tpu.memory_space<hbm>>
        %dma_start3A_180 = arith.constant 0 : i32
        %dma_start3A_181 = tpu.memref_slice %arg5[%add3A_99, %dma_start3A_180] : memref<2048x2048xf32, #tpu.memory_space<hbm>> -> memref<1x2048xf32, #tpu.memory_space<hbm>>
        %dma_start3A_182 = tpu.memref_squeeze %dma_start3A_181 : memref<1x2048xf32, #tpu.memory_space<hbm>> -> memref<2048xf32, #tpu.memory_space<hbm>>
        %dma_start3A_183 = arith.constant 0 : i32
        %dma_start3A_184 = tpu.memref_slice %arg12[%dma_start3A_183] : memref<4096xf32, #tpu.memory_space<vmem>> -> memref<2048xf32, #tpu.memory_space<vmem>>
        tpu.enqueue_dma source(%dma_start3A_184 : memref<2048xf32, #tpu.memory_space<vmem>>) target(%dma_start3A_182 : memref<2048xf32, #tpu.memory_space<hbm>>) target_semaphore(%arg15 : memref<!tpu.dma_semaphore, #tpu.memory_space<semaphore_mem>>)
      } else {
      }
      %shift_right_arithmetic3A_147 = arith.constant 9 : i32
      %shift_right_arithmetic3A_148 = arith.shrsi %add3A_44, %shift_right_arithmetic3A_147 : i32
      %eq3A_149 = arith.constant 0 : i32
      %eq3A_150 = arith.cmpi eq, %shift_right_arithmetic3A_148, %eq3A_149 : i32
      %convert_element_type3A_151 = arith.extui %eq3A_150 : i1 to i32
      %cond3A_152 = arith.constant 0 : i32
      %cond3A_153 = arith.cmpi ne, %convert_element_type3A_151, %cond3A_152 : i32
      scf.if %cond3A_153 {
        %dma_wait3A_175 = arith.constant 0 : i32
        %dma_wait3A_176 = tpu.memref_slice %arg11[%dma_wait3A_175] : memref<4096xf32, #tpu.memory_space<vmem>> -> memref<512xf32, #tpu.memory_space<vmem>>
        %dma_wait3A_177 = arith.constant 0 : i32
        %dma_wait3A_178 = tpu.memref_slice %arg5[%add3A_44, %dma_wait3A_177] : memref<2048x2048xf32, #tpu.memory_space<hbm>> -> memref<1x512xf32, #tpu.memory_space<hbm>>
        %dma_wait3A_179 = tpu.memref_squeeze %dma_wait3A_178 : memref<1x512xf32, #tpu.memory_space<hbm>> -> memref<512xf32, #tpu.memory_space<hbm>>
        %dma_wait3A_180 = arith.constant 0 : i32
        %dma_wait3A_181 = tpu.memref_slice %arg5[%add3A_44, %dma_wait3A_180] : memref<2048x2048xf32, #tpu.memory_space<hbm>> -> memref<1x512xf32, #tpu.memory_space<hbm>>
        %dma_wait3A_182 = tpu.memref_squeeze %dma_wait3A_181 : memref<1x512xf32, #tpu.memory_space<hbm>> -> memref<512xf32, #tpu.memory_space<hbm>>
        %dma_wait3A_183 = arith.constant 0 : i32
        %dma_wait3A_184 = tpu.memref_slice %arg11[%dma_wait3A_183] : memref<4096xf32, #tpu.memory_space<vmem>> -> memref<512xf32, #tpu.memory_space<vmem>>
        tpu.wait_dma2 semaphore(%arg14 : memref<!tpu.dma_semaphore, #tpu.memory_space<semaphore_mem>>) src(%dma_wait3A_184 : memref<512xf32, #tpu.memory_space<vmem>>) dst(%dma_wait3A_182 : memref<512xf32, #tpu.memory_space<hbm>>)
      } else {
      }
      %shift_right_arithmetic3A_154 = arith.constant 9 : i32
      %shift_right_arithmetic3A_155 = arith.shrsi %add3A_44, %shift_right_arithmetic3A_154 : i32
      %eq3A_156 = arith.constant 1 : i32
      %eq3A_157 = arith.cmpi eq, %shift_right_arithmetic3A_155, %eq3A_156 : i32
      %convert_element_type3A_158 = arith.extui %eq3A_157 : i1 to i32
      %cond3A_159 = arith.constant 0 : i32
      %cond3A_160 = arith.cmpi ne, %convert_element_type3A_158, %cond3A_159 : i32
      scf.if %cond3A_160 {
        %dma_wait3A_175 = arith.constant 0 : i32
        %dma_wait3A_176 = tpu.memref_slice %arg11[%dma_wait3A_175] : memref<4096xf32, #tpu.memory_space<vmem>> -> memref<1024xf32, #tpu.memory_space<vmem>>
        %dma_wait3A_177 = arith.constant 0 : i32
        %dma_wait3A_178 = tpu.memref_slice %arg5[%add3A_44, %dma_wait3A_177] : memref<2048x2048xf32, #tpu.memory_space<hbm>> -> memref<1x1024xf32, #tpu.memory_space<hbm>>
        %dma_wait3A_179 = tpu.memref_squeeze %dma_wait3A_178 : memref<1x1024xf32, #tpu.memory_space<hbm>> -> memref<1024xf32, #tpu.memory_space<hbm>>
        %dma_wait3A_180 = arith.constant 0 : i32
        %dma_wait3A_181 = tpu.memref_slice %arg5[%add3A_44, %dma_wait3A_180] : memref<2048x2048xf32, #tpu.memory_space<hbm>> -> memref<1x1024xf32, #tpu.memory_space<hbm>>
        %dma_wait3A_182 = tpu.memref_squeeze %dma_wait3A_181 : memref<1x1024xf32, #tpu.memory_space<hbm>> -> memref<1024xf32, #tpu.memory_space<hbm>>
        %dma_wait3A_183 = arith.constant 0 : i32
        %dma_wait3A_184 = tpu.memref_slice %arg11[%dma_wait3A_183] : memref<4096xf32, #tpu.memory_space<vmem>> -> memref<1024xf32, #tpu.memory_space<vmem>>
        tpu.wait_dma2 semaphore(%arg14 : memref<!tpu.dma_semaphore, #tpu.memory_space<semaphore_mem>>) src(%dma_wait3A_184 : memref<1024xf32, #tpu.memory_space<vmem>>) dst(%dma_wait3A_182 : memref<1024xf32, #tpu.memory_space<hbm>>)
      } else {
      }
      %shift_right_arithmetic3A_161 = arith.constant 9 : i32
      %shift_right_arithmetic3A_162 = arith.shrsi %add3A_44, %shift_right_arithmetic3A_161 : i32
      %eq3A_163 = arith.constant 2 : i32
      %eq3A_164 = arith.cmpi eq, %shift_right_arithmetic3A_162, %eq3A_163 : i32
      %convert_element_type3A_165 = arith.extui %eq3A_164 : i1 to i32
      %cond3A_166 = arith.constant 0 : i32
      %cond3A_167 = arith.cmpi ne, %convert_element_type3A_165, %cond3A_166 : i32
      scf.if %cond3A_167 {
        %dma_wait3A_175 = arith.constant 0 : i32
        %dma_wait3A_176 = tpu.memref_slice %arg11[%dma_wait3A_175] : memref<4096xf32, #tpu.memory_space<vmem>> -> memref<1536xf32, #tpu.memory_space<vmem>>
        %dma_wait3A_177 = arith.constant 0 : i32
        %dma_wait3A_178 = tpu.memref_slice %arg5[%add3A_44, %dma_wait3A_177] : memref<2048x2048xf32, #tpu.memory_space<hbm>> -> memref<1x1536xf32, #tpu.memory_space<hbm>>
        %dma_wait3A_179 = tpu.memref_squeeze %dma_wait3A_178 : memref<1x1536xf32, #tpu.memory_space<hbm>> -> memref<1536xf32, #tpu.memory_space<hbm>>
        %dma_wait3A_180 = arith.constant 0 : i32
        %dma_wait3A_181 = tpu.memref_slice %arg5[%add3A_44, %dma_wait3A_180] : memref<2048x2048xf32, #tpu.memory_space<hbm>> -> memref<1x1536xf32, #tpu.memory_space<hbm>>
        %dma_wait3A_182 = tpu.memref_squeeze %dma_wait3A_181 : memref<1x1536xf32, #tpu.memory_space<hbm>> -> memref<1536xf32, #tpu.memory_space<hbm>>
        %dma_wait3A_183 = arith.constant 0 : i32
        %dma_wait3A_184 = tpu.memref_slice %arg11[%dma_wait3A_183] : memref<4096xf32, #tpu.memory_space<vmem>> -> memref<1536xf32, #tpu.memory_space<vmem>>
        tpu.wait_dma2 semaphore(%arg14 : memref<!tpu.dma_semaphore, #tpu.memory_space<semaphore_mem>>) src(%dma_wait3A_184 : memref<1536xf32, #tpu.memory_space<vmem>>) dst(%dma_wait3A_182 : memref<1536xf32, #tpu.memory_space<hbm>>)
      } else {
      }
      %shift_right_arithmetic3A_168 = arith.constant 9 : i32
      %shift_right_arithmetic3A_169 = arith.shrsi %add3A_44, %shift_right_arithmetic3A_168 : i32
      %eq3A_170 = arith.constant 3 : i32
      %eq3A_171 = arith.cmpi eq, %shift_right_arithmetic3A_169, %eq3A_170 : i32
      %convert_element_type3A_172 = arith.extui %eq3A_171 : i1 to i32
      %cond3A_173 = arith.constant 0 : i32
      %cond3A_174 = arith.cmpi ne, %convert_element_type3A_172, %cond3A_173 : i32
      scf.if %cond3A_174 {
        %dma_wait3A_175 = arith.constant 0 : i32
        %dma_wait3A_176 = tpu.memref_slice %arg11[%dma_wait3A_175] : memref<4096xf32, #tpu.memory_space<vmem>> -> memref<2048xf32, #tpu.memory_space<vmem>>
        %dma_wait3A_177 = arith.constant 0 : i32
        %dma_wait3A_178 = tpu.memref_slice %arg5[%add3A_44, %dma_wait3A_177] : memref<2048x2048xf32, #tpu.memory_space<hbm>> -> memref<1x2048xf32, #tpu.memory_space<hbm>>
        %dma_wait3A_179 = tpu.memref_squeeze %dma_wait3A_178 : memref<1x2048xf32, #tpu.memory_space<hbm>> -> memref<2048xf32, #tpu.memory_space<hbm>>
        %dma_wait3A_180 = arith.constant 0 : i32
        %dma_wait3A_181 = tpu.memref_slice %arg5[%add3A_44, %dma_wait3A_180] : memref<2048x2048xf32, #tpu.memory_space<hbm>> -> memref<1x2048xf32, #tpu.memory_space<hbm>>
        %dma_wait3A_182 = tpu.memref_squeeze %dma_wait3A_181 : memref<1x2048xf32, #tpu.memory_space<hbm>> -> memref<2048xf32, #tpu.memory_space<hbm>>
        %dma_wait3A_183 = arith.constant 0 : i32
        %dma_wait3A_184 = tpu.memref_slice %arg11[%dma_wait3A_183] : memref<4096xf32, #tpu.memory_space<vmem>> -> memref<2048xf32, #tpu.memory_space<vmem>>
        tpu.wait_dma2 semaphore(%arg14 : memref<!tpu.dma_semaphore, #tpu.memory_space<semaphore_mem>>) src(%dma_wait3A_184 : memref<2048xf32, #tpu.memory_space<vmem>>) dst(%dma_wait3A_182 : memref<2048xf32, #tpu.memory_space<hbm>>)
      } else {
      }
    }
    %scan3A_25 = arith.constant 32 : i32
    %dma_wait3A = arith.constant 0 : i32
    %dma_wait3A_26 = arith.constant 0 : i32
    %dma_wait3A_27 = tpu.memref_slice %arg12[%dma_wait3A_26] : memref<4096xf32, #tpu.memory_space<vmem>> -> memref<2048xf32, #tpu.memory_space<vmem>>
    %dma_wait3A_28 = arith.constant 0 : i32
    %dma_wait3A_29 = tpu.memref_slice %arg5[%dma_wait3A, %dma_wait3A_28] : memref<2048x2048xf32, #tpu.memory_space<hbm>> -> memref<1x2048xf32, #tpu.memory_space<hbm>>
    %dma_wait3A_30 = tpu.memref_squeeze %dma_wait3A_29 : memref<1x2048xf32, #tpu.memory_space<hbm>> -> memref<2048xf32, #tpu.memory_space<hbm>>
    %dma_wait3A_31 = arith.constant 0 : i32
    %dma_wait3A_32 = tpu.memref_slice %arg5[%dma_wait3A, %dma_wait3A_31] : memref<2048x2048xf32, #tpu.memory_space<hbm>> -> memref<1x2048xf32, #tpu.memory_space<hbm>>
    %dma_wait3A_33 = tpu.memref_squeeze %dma_wait3A_32 : memref<1x2048xf32, #tpu.memory_space<hbm>> -> memref<2048xf32, #tpu.memory_space<hbm>>
    %dma_wait3A_34 = arith.constant 0 : i32
    %dma_wait3A_35 = tpu.memref_slice %arg12[%dma_wait3A_34] : memref<4096xf32, #tpu.memory_space<vmem>> -> memref<2048xf32, #tpu.memory_space<vmem>>
    tpu.wait_dma2 semaphore(%arg15 : memref<!tpu.dma_semaphore, #tpu.memory_space<semaphore_mem>>) src(%dma_wait3A_35 : memref<2048xf32, #tpu.memory_space<vmem>>) dst(%dma_wait3A_33 : memref<2048xf32, #tpu.memory_space<hbm>>)
    return
  }
}

module attributes {stable_mosaic.version = 14 : i64} {
  func.func @_tc_softmax_body(%arg0: i32, %arg1: memref<512x512xf32, #tpu.memory_space<vmem>>, %arg2: memref<512x512xf32, #tpu.memory_space<vmem>>, %arg3: memref<512x512xf32, #tpu.memory_space<vmem>>, %arg4: memref<512x512xf32, #tpu.memory_space<vmem>>, %arg5: memref<512x4096xf32, #tpu.memory_space<vmem>>) attributes {dimension_semantics = [#tpu.dimension_semantics<arbitrary>], iteration_bounds = array<i64: 4>, scalar_prefetch = 0 : i64, scratch_operands = 0 : i64, tpu.core_type = #tpu.core_type<tc>, window_params = [{transform_indices = @transform_0, window_bounds = array<i64: 512, 512>}, {transform_indices = @transform_1, window_bounds = array<i64: 512, 512>}, {transform_indices = @transform_2, window_bounds = array<i64: 512, 512>}, {transform_indices = @transform_3, window_bounds = array<i64: 512, 512>}, {transform_indices = @transform_4, window_bounds = array<i64: 512, 4096>}]} {
    %eq3A = arith.constant 0 : i32
    %eq3A_0 = arith.cmpi eq, %arg0, %eq3A : i32
    %convert_element_type3A = arith.extui %eq3A_0 : i1 to i32
    %cond3A = arith.constant 0 : i32
    %cond3A_1 = arith.cmpi ne, %convert_element_type3A, %cond3A : i32
    scf.if %cond3A_1 {
      %iota3A = tpu.iota {dimensions = array<i32: 0>} : vector<512x512xi32>
      %add3A = arith.constant 0 : i32
      %add3A_17 = vector.broadcast %add3A : i32 to vector<512x512xi32>
      %add3A_18 = arith.addi %iota3A, %add3A_17 : vector<512x512xi32>
      %iota3A_19 = tpu.iota {dimensions = array<i32: 1>} : vector<512x512xi32>
      %add3A_20 = arith.constant 0 : i32
      %add3A_21 = vector.broadcast %add3A_20 : i32 to vector<512x512xi32>
      %add3A_22 = arith.addi %iota3A_19, %add3A_21 : vector<512x512xi32>
      %le3A = arith.cmpi sle, %add3A_22, %add3A_18 : vector<512x512xi32>
      %get3A = arith.constant 0 : index
      %get3A_23 = arith.constant 0 : index
      %get3A_24 = vector.load %arg1[%get3A, %get3A_23] : memref<512x512xf32, #tpu.memory_space<vmem>>, vector<512x512xf32>
      %jit3A = arith.constant 0.000000e+00 : f32
      %broadcast_in_dim3A = vector.broadcast %jit3A : f32 to vector<512x512xf32>
      %select_n3A = arith.select %le3A, %get3A_24, %broadcast_in_dim3A : vector<512x512xi1>, vector<512x512xf32>
      %reduce_max3A = arith.constant dense<0xFF800000> : vector<512xf32>
      %reduce_max3A_25 = vector.multi_reduction <maximumf>, %select_n3A, %reduce_max3A [1] : vector<512x512xf32> to vector<512xf32>
      %broadcast_in_dim3A_26 = vector.shape_cast %reduce_max3A_25 : vector<512xf32> to vector<512x1xf32>
      %sub3A = vector.broadcast %broadcast_in_dim3A_26 : vector<512x1xf32> to vector<512x512xf32>
      %sub3A_27 = arith.subf %select_n3A, %sub3A : vector<512x512xf32>
      %exp3A = math.exp %sub3A_27 : vector<512x512xf32>
      %neg3A = arith.constant 0.000000e+00 : f32
      %neg3A_28 = vector.broadcast %neg3A : f32 to vector<512x1xf32>
      %neg3A_29 = arith.subf %neg3A_28, %broadcast_in_dim3A_26 : vector<512x1xf32>
      %exp3A_30 = math.exp %neg3A_29 : vector<512x1xf32>
      %reduce_sum3A = arith.constant dense<0.000000e+00> : vector<512xf32>
      %reduce_sum3A_31 = vector.multi_reduction <add>, %exp3A, %reduce_sum3A [1] : vector<512x512xf32> to vector<512xf32>
      %broadcast_in_dim3A_32 = vector.shape_cast %reduce_sum3A_31 : vector<512xf32> to vector<512x1xf32>
      %mul3A = arith.constant 3.584000e+03 : f32
      %mul3A_33 = vector.broadcast %mul3A : f32 to vector<512x1xf32>
      %mul3A_34 = arith.mulf %mul3A_33, %exp3A_30 : vector<512x1xf32>
      %add3A_35 = arith.addf %broadcast_in_dim3A_32, %mul3A_34 : vector<512x1xf32>
      %div3A = arith.constant 1.000000e+00 : f32
      %div3A_36 = vector.broadcast %div3A : f32 to vector<512x1xf32>
      %div3A_37 = arith.divf %div3A_36, %add3A_35 : vector<512x1xf32>
      %mul3A_38 = vector.broadcast %div3A_37 : vector<512x1xf32> to vector<512x512xf32>
      %mul3A_39 = arith.mulf %exp3A, %mul3A_38 : vector<512x512xf32>
      %swap3A = arith.constant 0 : index
      %swap3A_40 = arith.constant 0 : index
      %swap3A_41 = vector.load %arg5[%swap3A, %swap3A_40] : memref<512x4096xf32, #tpu.memory_space<vmem>>, vector<512x512xf32>
      tpu.vector_store %arg5[%swap3A, %swap3A_40], %mul3A_39 {strides = array<i32>} : memref<512x4096xf32, #tpu.memory_space<vmem>>, vector<512x512xf32>,
      %mul3A_42 = arith.mulf %exp3A_30, %div3A_37 : vector<512x1xf32>
      %broadcast_in_dim3A_43 = vector.shape_cast %mul3A_42 : vector<512x1xf32> to vector<512x1xf32>
      %broadcast_in_dim3A_44 = vector.broadcast %broadcast_in_dim3A_43 : vector<512x1xf32> to vector<512x3584xf32>
      %swap3A_45 = arith.constant 0 : index
      %swap3A_46 = arith.constant 512 : index
      %swap3A_47 = vector.load %arg5[%swap3A_45, %swap3A_46] : memref<512x4096xf32, #tpu.memory_space<vmem>>, vector<512x3584xf32>
      tpu.vector_store %arg5[%swap3A_45, %swap3A_46], %broadcast_in_dim3A_44 {strides = array<i32>} : memref<512x4096xf32, #tpu.memory_space<vmem>>, vector<512x3584xf32>,
    } else {
    }
    %eq3A_2 = arith.constant 1 : i32
    %eq3A_3 = arith.cmpi eq, %arg0, %eq3A_2 : i32
    %convert_element_type3A_4 = arith.extui %eq3A_3 : i1 to i32
    %cond3A_5 = arith.constant 0 : i32
    %cond3A_6 = arith.cmpi ne, %convert_element_type3A_4, %cond3A_5 : i32
    scf.if %cond3A_6 {
      %iota3A = tpu.iota {dimensions = array<i32: 0>} : vector<512x512xi32>
      %add3A = arith.constant 512 : i32
      %add3A_17 = vector.broadcast %add3A : i32 to vector<512x512xi32>
      %add3A_18 = arith.addi %iota3A, %add3A_17 : vector<512x512xi32>
      %iota3A_19 = tpu.iota {dimensions = array<i32: 1>} : vector<512x512xi32>
      %add3A_20 = arith.constant 512 : i32
      %add3A_21 = vector.broadcast %add3A_20 : i32 to vector<512x512xi32>
      %add3A_22 = arith.addi %iota3A_19, %add3A_21 : vector<512x512xi32>
      %le3A = arith.cmpi sle, %add3A_22, %add3A_18 : vector<512x512xi32>
      %get3A = arith.constant 0 : index
      %get3A_23 = arith.constant 0 : index
      %get3A_24 = vector.load %arg2[%get3A, %get3A_23] : memref<512x512xf32, #tpu.memory_space<vmem>>, vector<512x512xf32>
      %jit3A = arith.constant 0.000000e+00 : f32
      %broadcast_in_dim3A = vector.broadcast %jit3A : f32 to vector<512x512xf32>
      %select_n3A = arith.select %le3A, %get3A_24, %broadcast_in_dim3A : vector<512x512xi1>, vector<512x512xf32>
      %get3A_25 = arith.constant 0 : index
      %get3A_26 = arith.constant 0 : index
      %get3A_27 = vector.load %arg1[%get3A_25, %get3A_26] : memref<512x512xf32, #tpu.memory_space<vmem>>, vector<512x512xf32>
      %concatenate3A = tpu.concatenate %get3A_27, %select_n3A in 1 : vector<512x512xf32>, vector<512x512xf32> -> vector<512x1024xf32>
      %reduce_max3A = arith.constant dense<0xFF800000> : vector<512xf32>
      %reduce_max3A_28 = vector.multi_reduction <maximumf>, %concatenate3A, %reduce_max3A [1] : vector<512x1024xf32> to vector<512xf32>
      %broadcast_in_dim3A_29 = vector.shape_cast %reduce_max3A_28 : vector<512xf32> to vector<512x1xf32>
      %sub3A = vector.broadcast %broadcast_in_dim3A_29 : vector<512x1xf32> to vector<512x1024xf32>
      %sub3A_30 = arith.subf %concatenate3A, %sub3A : vector<512x1024xf32>
      %exp3A = math.exp %sub3A_30 : vector<512x1024xf32>
      %neg3A = arith.constant 0.000000e+00 : f32
      %neg3A_31 = vector.broadcast %neg3A : f32 to vector<512x1xf32>
      %neg3A_32 = arith.subf %neg3A_31, %broadcast_in_dim3A_29 : vector<512x1xf32>
      %exp3A_33 = math.exp %neg3A_32 : vector<512x1xf32>
      %reduce_sum3A = arith.constant dense<0.000000e+00> : vector<512xf32>
      %reduce_sum3A_34 = vector.multi_reduction <add>, %exp3A, %reduce_sum3A [1] : vector<512x1024xf32> to vector<512xf32>
      %broadcast_in_dim3A_35 = vector.shape_cast %reduce_sum3A_34 : vector<512xf32> to vector<512x1xf32>
      %mul3A = arith.constant 3.072000e+03 : f32
      %mul3A_36 = vector.broadcast %mul3A : f32 to vector<512x1xf32>
      %mul3A_37 = arith.mulf %mul3A_36, %exp3A_33 : vector<512x1xf32>
      %add3A_38 = arith.addf %broadcast_in_dim3A_35, %mul3A_37 : vector<512x1xf32>
      %div3A = arith.constant 1.000000e+00 : f32
      %div3A_39 = vector.broadcast %div3A : f32 to vector<512x1xf32>
      %div3A_40 = arith.divf %div3A_39, %add3A_38 : vector<512x1xf32>
      %mul3A_41 = vector.broadcast %div3A_40 : vector<512x1xf32> to vector<512x1024xf32>
      %mul3A_42 = arith.mulf %exp3A, %mul3A_41 : vector<512x1024xf32>
      %swap3A = arith.constant 0 : index
      %swap3A_43 = arith.constant 0 : index
      %swap3A_44 = vector.load %arg5[%swap3A, %swap3A_43] : memref<512x4096xf32, #tpu.memory_space<vmem>>, vector<512x1024xf32>
      tpu.vector_store %arg5[%swap3A, %swap3A_43], %mul3A_42 {strides = array<i32>} : memref<512x4096xf32, #tpu.memory_space<vmem>>, vector<512x1024xf32>,
      %mul3A_45 = arith.mulf %exp3A_33, %div3A_40 : vector<512x1xf32>
      %broadcast_in_dim3A_46 = vector.shape_cast %mul3A_45 : vector<512x1xf32> to vector<512x1xf32>
      %broadcast_in_dim3A_47 = vector.broadcast %broadcast_in_dim3A_46 : vector<512x1xf32> to vector<512x3072xf32>
      %swap3A_48 = arith.constant 0 : index
      %swap3A_49 = arith.constant 1024 : index
      %swap3A_50 = vector.load %arg5[%swap3A_48, %swap3A_49] : memref<512x4096xf32, #tpu.memory_space<vmem>>, vector<512x3072xf32>
      tpu.vector_store %arg5[%swap3A_48, %swap3A_49], %broadcast_in_dim3A_47 {strides = array<i32>} : memref<512x4096xf32, #tpu.memory_space<vmem>>, vector<512x3072xf32>,
    } else {
    }
    %eq3A_7 = arith.constant 2 : i32
    %eq3A_8 = arith.cmpi eq, %arg0, %eq3A_7 : i32
    %convert_element_type3A_9 = arith.extui %eq3A_8 : i1 to i32
    %cond3A_10 = arith.constant 0 : i32
    %cond3A_11 = arith.cmpi ne, %convert_element_type3A_9, %cond3A_10 : i32
    scf.if %cond3A_11 {
      %iota3A = tpu.iota {dimensions = array<i32: 0>} : vector<512x512xi32>
      %add3A = arith.constant 1024 : i32
      %add3A_17 = vector.broadcast %add3A : i32 to vector<512x512xi32>
      %add3A_18 = arith.addi %iota3A, %add3A_17 : vector<512x512xi32>
      %iota3A_19 = tpu.iota {dimensions = array<i32: 1>} : vector<512x512xi32>
      %add3A_20 = arith.constant 1024 : i32
      %add3A_21 = vector.broadcast %add3A_20 : i32 to vector<512x512xi32>
      %add3A_22 = arith.addi %iota3A_19, %add3A_21 : vector<512x512xi32>
      %le3A = arith.cmpi sle, %add3A_22, %add3A_18 : vector<512x512xi32>
      %get3A = arith.constant 0 : index
      %get3A_23 = arith.constant 0 : index
      %get3A_24 = vector.load %arg3[%get3A, %get3A_23] : memref<512x512xf32, #tpu.memory_space<vmem>>, vector<512x512xf32>
      %jit3A = arith.constant 0.000000e+00 : f32
      %broadcast_in_dim3A = vector.broadcast %jit3A : f32 to vector<512x512xf32>
      %select_n3A = arith.select %le3A, %get3A_24, %broadcast_in_dim3A : vector<512x512xi1>, vector<512x512xf32>
      %get3A_25 = arith.constant 0 : index
      %get3A_26 = arith.constant 0 : index
      %get3A_27 = vector.load %arg1[%get3A_25, %get3A_26] : memref<512x512xf32, #tpu.memory_space<vmem>>, vector<512x512xf32>
      %get3A_28 = arith.constant 0 : index
      %get3A_29 = arith.constant 0 : index
      %get3A_30 = vector.load %arg2[%get3A_28, %get3A_29] : memref<512x512xf32, #tpu.memory_space<vmem>>, vector<512x512xf32>
      %concatenate3A = tpu.concatenate %get3A_27, %get3A_30, %select_n3A in 1 : vector<512x512xf32>, vector<512x512xf32>, vector<512x512xf32> -> vector<512x1536xf32>
      %reduce_max3A = arith.constant dense<0xFF800000> : vector<512xf32>
      %reduce_max3A_31 = vector.multi_reduction <maximumf>, %concatenate3A, %reduce_max3A [1] : vector<512x1536xf32> to vector<512xf32>
      %broadcast_in_dim3A_32 = vector.shape_cast %reduce_max3A_31 : vector<512xf32> to vector<512x1xf32>
      %sub3A = vector.broadcast %broadcast_in_dim3A_32 : vector<512x1xf32> to vector<512x1536xf32>
      %sub3A_33 = arith.subf %concatenate3A, %sub3A : vector<512x1536xf32>
      %exp3A = math.exp %sub3A_33 : vector<512x1536xf32>
      %neg3A = arith.constant 0.000000e+00 : f32
      %neg3A_34 = vector.broadcast %neg3A : f32 to vector<512x1xf32>
      %neg3A_35 = arith.subf %neg3A_34, %broadcast_in_dim3A_32 : vector<512x1xf32>
      %exp3A_36 = math.exp %neg3A_35 : vector<512x1xf32>
      %reduce_sum3A = arith.constant dense<0.000000e+00> : vector<512xf32>
      %reduce_sum3A_37 = vector.multi_reduction <add>, %exp3A, %reduce_sum3A [1] : vector<512x1536xf32> to vector<512xf32>
      %broadcast_in_dim3A_38 = vector.shape_cast %reduce_sum3A_37 : vector<512xf32> to vector<512x1xf32>
      %mul3A = arith.constant 2.560000e+03 : f32
      %mul3A_39 = vector.broadcast %mul3A : f32 to vector<512x1xf32>
      %mul3A_40 = arith.mulf %mul3A_39, %exp3A_36 : vector<512x1xf32>
      %add3A_41 = arith.addf %broadcast_in_dim3A_38, %mul3A_40 : vector<512x1xf32>
      %div3A = arith.constant 1.000000e+00 : f32
      %div3A_42 = vector.broadcast %div3A : f32 to vector<512x1xf32>
      %div3A_43 = arith.divf %div3A_42, %add3A_41 : vector<512x1xf32>
      %mul3A_44 = vector.broadcast %div3A_43 : vector<512x1xf32> to vector<512x1536xf32>
      %mul3A_45 = arith.mulf %exp3A, %mul3A_44 : vector<512x1536xf32>
      %swap3A = arith.constant 0 : index
      %swap3A_46 = arith.constant 0 : index
      %swap3A_47 = vector.load %arg5[%swap3A, %swap3A_46] : memref<512x4096xf32, #tpu.memory_space<vmem>>, vector<512x1536xf32>
      tpu.vector_store %arg5[%swap3A, %swap3A_46], %mul3A_45 {strides = array<i32>} : memref<512x4096xf32, #tpu.memory_space<vmem>>, vector<512x1536xf32>,
      %mul3A_48 = arith.mulf %exp3A_36, %div3A_43 : vector<512x1xf32>
      %broadcast_in_dim3A_49 = vector.shape_cast %mul3A_48 : vector<512x1xf32> to vector<512x1xf32>
      %broadcast_in_dim3A_50 = vector.broadcast %broadcast_in_dim3A_49 : vector<512x1xf32> to vector<512x2560xf32>
      %swap3A_51 = arith.constant 0 : index
      %swap3A_52 = arith.constant 1536 : index
      %swap3A_53 = vector.load %arg5[%swap3A_51, %swap3A_52] : memref<512x4096xf32, #tpu.memory_space<vmem>>, vector<512x2560xf32>
      tpu.vector_store %arg5[%swap3A_51, %swap3A_52], %broadcast_in_dim3A_50 {strides = array<i32>} : memref<512x4096xf32, #tpu.memory_space<vmem>>, vector<512x2560xf32>,
    } else {
    }
    %eq3A_12 = arith.constant 3 : i32
    %eq3A_13 = arith.cmpi eq, %arg0, %eq3A_12 : i32
    %convert_element_type3A_14 = arith.extui %eq3A_13 : i1 to i32
    %cond3A_15 = arith.constant 0 : i32
    %cond3A_16 = arith.cmpi ne, %convert_element_type3A_14, %cond3A_15 : i32
    scf.if %cond3A_16 {
      %iota3A = tpu.iota {dimensions = array<i32: 0>} : vector<512x512xi32>
      %add3A = arith.constant 1536 : i32
      %add3A_17 = vector.broadcast %add3A : i32 to vector<512x512xi32>
      %add3A_18 = arith.addi %iota3A, %add3A_17 : vector<512x512xi32>
      %iota3A_19 = tpu.iota {dimensions = array<i32: 1>} : vector<512x512xi32>
      %add3A_20 = arith.constant 1536 : i32
      %add3A_21 = vector.broadcast %add3A_20 : i32 to vector<512x512xi32>
      %add3A_22 = arith.addi %iota3A_19, %add3A_21 : vector<512x512xi32>
      %le3A = arith.cmpi sle, %add3A_22, %add3A_18 : vector<512x512xi32>
      %get3A = arith.constant 0 : index
      %get3A_23 = arith.constant 0 : index
      %get3A_24 = vector.load %arg4[%get3A, %get3A_23] : memref<512x512xf32, #tpu.memory_space<vmem>>, vector<512x512xf32>
      %jit3A = arith.constant 0.000000e+00 : f32
      %broadcast_in_dim3A = vector.broadcast %jit3A : f32 to vector<512x512xf32>
      %select_n3A = arith.select %le3A, %get3A_24, %broadcast_in_dim3A : vector<512x512xi1>, vector<512x512xf32>
      %get3A_25 = arith.constant 0 : index
      %get3A_26 = arith.constant 0 : index
      %get3A_27 = vector.load %arg1[%get3A_25, %get3A_26] : memref<512x512xf32, #tpu.memory_space<vmem>>, vector<512x512xf32>
      %get3A_28 = arith.constant 0 : index
      %get3A_29 = arith.constant 0 : index
      %get3A_30 = vector.load %arg2[%get3A_28, %get3A_29] : memref<512x512xf32, #tpu.memory_space<vmem>>, vector<512x512xf32>
      %get3A_31 = arith.constant 0 : index
      %get3A_32 = arith.constant 0 : index
      %get3A_33 = vector.load %arg3[%get3A_31, %get3A_32] : memref<512x512xf32, #tpu.memory_space<vmem>>, vector<512x512xf32>
      %concatenate3A = tpu.concatenate %get3A_27, %get3A_30, %get3A_33, %select_n3A in 1 : vector<512x512xf32>, vector<512x512xf32>, vector<512x512xf32>, vector<512x512xf32> -> vector<512x2048xf32>
      %reduce_max3A = arith.constant dense<0xFF800000> : vector<512xf32>
      %reduce_max3A_34 = vector.multi_reduction <maximumf>, %concatenate3A, %reduce_max3A [1] : vector<512x2048xf32> to vector<512xf32>
      %broadcast_in_dim3A_35 = vector.shape_cast %reduce_max3A_34 : vector<512xf32> to vector<512x1xf32>
      %sub3A = vector.broadcast %broadcast_in_dim3A_35 : vector<512x1xf32> to vector<512x2048xf32>
      %sub3A_36 = arith.subf %concatenate3A, %sub3A : vector<512x2048xf32>
      %exp3A = math.exp %sub3A_36 : vector<512x2048xf32>
      %neg3A = arith.constant 0.000000e+00 : f32
      %neg3A_37 = vector.broadcast %neg3A : f32 to vector<512x1xf32>
      %neg3A_38 = arith.subf %neg3A_37, %broadcast_in_dim3A_35 : vector<512x1xf32>
      %exp3A_39 = math.exp %neg3A_38 : vector<512x1xf32>
      %reduce_sum3A = arith.constant dense<0.000000e+00> : vector<512xf32>
      %reduce_sum3A_40 = vector.multi_reduction <add>, %exp3A, %reduce_sum3A [1] : vector<512x2048xf32> to vector<512xf32>
      %broadcast_in_dim3A_41 = vector.shape_cast %reduce_sum3A_40 : vector<512xf32> to vector<512x1xf32>
      %mul3A = arith.constant 2.048000e+03 : f32
      %mul3A_42 = vector.broadcast %mul3A : f32 to vector<512x1xf32>
      %mul3A_43 = arith.mulf %mul3A_42, %exp3A_39 : vector<512x1xf32>
      %add3A_44 = arith.addf %broadcast_in_dim3A_41, %mul3A_43 : vector<512x1xf32>
      %div3A = arith.constant 1.000000e+00 : f32
      %div3A_45 = vector.broadcast %div3A : f32 to vector<512x1xf32>
      %div3A_46 = arith.divf %div3A_45, %add3A_44 : vector<512x1xf32>
      %mul3A_47 = vector.broadcast %div3A_46 : vector<512x1xf32> to vector<512x2048xf32>
      %mul3A_48 = arith.mulf %exp3A, %mul3A_47 : vector<512x2048xf32>
      %swap3A = arith.constant 0 : index
      %swap3A_49 = arith.constant 0 : index
      %swap3A_50 = vector.load %arg5[%swap3A, %swap3A_49] : memref<512x4096xf32, #tpu.memory_space<vmem>>, vector<512x2048xf32>
      tpu.vector_store %arg5[%swap3A, %swap3A_49], %mul3A_48 {strides = array<i32>} : memref<512x4096xf32, #tpu.memory_space<vmem>>, vector<512x2048xf32>,
      %mul3A_51 = arith.mulf %exp3A_39, %div3A_46 : vector<512x1xf32>
      %broadcast_in_dim3A_52 = vector.shape_cast %mul3A_51 : vector<512x1xf32> to vector<512x1xf32>
      %broadcast_in_dim3A_53 = vector.broadcast %broadcast_in_dim3A_52 : vector<512x1xf32> to vector<512x2048xf32>
      %swap3A_54 = arith.constant 0 : index
      %swap3A_55 = arith.constant 2048 : index
      %swap3A_56 = vector.load %arg5[%swap3A_54, %swap3A_55] : memref<512x4096xf32, #tpu.memory_space<vmem>>, vector<512x2048xf32>
      tpu.vector_store %arg5[%swap3A_54, %swap3A_55], %broadcast_in_dim3A_53 {strides = array<i32>} : memref<512x4096xf32, #tpu.memory_space<vmem>>, vector<512x2048xf32>,
    } else {
    }
    return
  }
  func.func @transform_0(%arg0: i32) -> (i32, i32) {
    %max3A = arith.constant 0 : i32
    %max3A_0 = arith.maxsi %arg0, %max3A : i32
    %c0_i32 = arith.constant 0 : i32
    %c0_i32_1 = arith.constant 0 : i32
    return %max3A_0, %c0_i32 : i32, i32
  }
  func.func @transform_1(%arg0: i32) -> (i32, i32) {
    %max3A = arith.constant 1 : i32
    %max3A_0 = arith.maxsi %arg0, %max3A : i32
    %c1_i32 = arith.constant 1 : i32
    %c0_i32 = arith.constant 0 : i32
    return %max3A_0, %c1_i32 : i32, i32
  }
  func.func @transform_2(%arg0: i32) -> (i32, i32) {
    %max3A = arith.constant 2 : i32
    %max3A_0 = arith.maxsi %arg0, %max3A : i32
    %c2_i32 = arith.constant 2 : i32
    %c0_i32 = arith.constant 0 : i32
    return %max3A_0, %c2_i32 : i32, i32
  }
  func.func @transform_3(%arg0: i32) -> (i32, i32) {
    %max3A = arith.constant 3 : i32
    %max3A_0 = arith.maxsi %arg0, %max3A : i32
    %c3_i32 = arith.constant 3 : i32
    %c0_i32 = arith.constant 0 : i32
    return %max3A_0, %c3_i32 : i32, i32
  }
  func.func @transform_4(%arg0: i32) -> (i32, i32) {
    %c0_i32 = arith.constant 0 : i32
    %c0_i32_0 = arith.constant 0 : i32
    return %arg0, %c0_i32 : i32, i32
  }
}

</mosaic_0001>

<sc_bundles>
// kernel: kernel.4.cloned.1.call-start
scs
__scs_entry_jumppad:
0x0: {  	(pc) =	sbr.rel $0x88, $3  }
0x1: {  	(tag) =	ssettag $0x0;
	lr =	simm.s32 $0x1  }
0x2: {  	[smem:$0x3F9E] =	sst lr;
	_ =	strace $0xD0000000  }
0x3: {  	_ = 	snop  }
0x4: {  	_ = 	snop  }
0x5: {  	_ = 	snop  }
0x6: {  	_ = 	snop  }
0x7: {  	_ = 	snop  }
__scs_overlays_trampoline_lowered:
0x8: {  	[smem:$0x3FAD] =	sst s0  }
0x9: {  	[smem:$0x3FAE] =	sst s1  }
0xa: {  	[smem:$0x3FAF] =	sst s2  }
0xb: {  	[smem:$0x3FB0] =	sst s3  }
0xc: {  	[smem:$0x3FB1] =	sst s4  }
0xd: {  	[smem:$0x3FB2] =	sst s5  }
0xe: {  	[smem:$0x3FB3] =	sst s6  }
0xf: {  	[smem:$0x3FB4] =	sst s7  }
0x10: {  	[smem:$0x3FB5] =	sst s8  }
0x11: {  	[smem:$0x3FB6] =	sst s9;
	s0 =	simm.s32 @!p0 $0x0  }
0x12: {  	s1 =	sld [smem:$0x3F9C];
	s0 =	simm.s32 @p0 $0x1  }
0x13: {  	[smem:$0x3FB7] =	sst s0;
	s0 =	simm.s32 @!p1 $0x0  }
0x14: {  	s2 =	sld [smem:$0x3F9B];
	s0 =	simm.s32 @p1 $0x1  }
0x15: {  	[smem:$0x3FB8] =	sst s0;
	s0 =	simm.s32 @!p2 $0x0  }
0x16: {  	s3 =	sld [smem:$0x3FDB];
	s0 =	simm.s32 @p2 $0x1  }
0x17: {  	s4 =	simm.s32 $0x1BF5;
	[smem:$0x3FBA] =	sst s0  }
0x18: {  	s0 =	sld [smem:$0x3F9D];
	_ =	swait.ge [sflag:s4], $0x0  }
0x19: {  	s7 =	sld [smem:$0x3F9E]  }
0x1a: {  	s8 =	sadd.s32 $0xFFFFE003, lr  }
0x1b: {  	s9 =	sadd.s32 $0xFFFFFEF7, lr;
	s5 =	simm.s32 $0xFFFFFFFF;
	p2 =	slt.u32 s8, $0xFFFFF086  }
0x1c: {  	p1 =	slt.u32 s9, $0xF7A;
	s5 =	simm.s32 @!p2 $0x0  }
0x1d: {  	s5 =	simm.s32 @p1 $0x1;
	p0 =	seq.s32 s7, s2  }
0x1e: {  	s7 =	smul.u32 @!p0 $0xF7A, s2;
	p2 =	seq.s32 @!p0 s5, $0x0  }
0x1f: {  	s9 =	smul.u32 $0xF7A, s1;
	s8 =	simm.s32 @!p0 $0x1BF5;
	p2 =	por !p2, p0  }
0x20: {  	[sflag:s8] =	ssyncset.s32 @!p0 $0xFFFFF086;
	s6 =	sadd.s32 @!p0 s3, s7;
	s7 =	simm.s32 @!p0 $0x108  }
0x21: {  	s3 =	sadd.s32 s3, s9;
	s6 =	sadd.s32 @!p0 $0x88, s6;
	s7 =	simm.s32 @p2 $0x1082  }
0x22: {  	[simem:s7], [sflag:s8] =	dma.local @!p0 [hbm:s6], $0xF7A  }
0x23: {  	s9 =	sor.u32 $0xD0000000, s2;
	s6 =	simm.s32 $0x108;
	_ =	swait.ge @!p0 [sflag:s8], $0x0  }
0x24: {  	s3 =	sadd.s32 $0x88, s3;
	s6 =	simm.s32 @!p1 $0x1082;
	[sflag:s4] =	ssyncset.s32 $0xFFFFF086  }
0x25: {  	[simem:s6], [sflag:s4] =	dma.local [hbm:s3], $0xF7A  }
0x26: {  	[smem:$0x3F9E] =	sst s1;
	(tag) =	ssettag s2;
	_ =	strace s9  }
0x27: {  	s1 =	sld [smem:$0x3FAE]  }
0x28: {  	s2 =	sld [smem:$0x3FAF]  }
0x29: {  	s4 =	sld [smem:$0x3FB1]  }
0x2a: {  	p0 =	seq.s32 s5, $0x0;
	s5 =	sld [smem:$0x3FB2]  }
0x2b: {  	s6 =	sld [smem:$0x3FB3]  }
0x2c: {  	s7 =	sld [smem:$0x3FB4]  }
0x2d: {  	s3 =	simm.s32 $0x108;
	s8 =	sld [smem:$0x3FB5]  }
0x2e: {  	s3 =	simm.s32 @!p0 $0x1082;
	s9 =	sld [smem:$0x3FB6]  }
0x2f: {  	lr =	sadd.s32 s0, s3;
	s0 =	sld [smem:$0x3FAD]  }
0x30: {  	s3 =	sld [smem:$0x3FB0]  }
0x31: {  	[smem:$0x3FB9] =	sst s10  }
0x32: {  	s10 =	sld [smem:$0x3FB7];
	_ =	sdelay $0x3  }
0x33: {  	p0 =	seq.s32 s10, $0x1;
	s10 =	sld [smem:$0x3FB9];
	_ =	sdelay $0x3  }
0x34: {  	[smem:$0x3FB9] =	sst s10  }
0x35: {  	s10 =	sld [smem:$0x3FB8];
	_ =	sdelay $0x3  }
0x36: {  	p1 =	seq.s32 s10, $0x1;
	s10 =	sld [smem:$0x3FB9];
	_ =	sdelay $0x3  }
0x37: {  	[smem:$0x3FB9] =	sst s10  }
0x38: {  	s10 =	sld [smem:$0x3FBA]  }
0x39: {  	_ = 	snop;
	(pc) =	sbr.ind lr, $3  }
0x3a: {  	_ = 	snop  }
0x3b: {  	_ = 	snop  }
0x3c: {  	p2 =	seq.s32 s10, $0x1;
	s10 =	sld [smem:$0x3FB9]  }
0x3d: {  	_ =	shalt  }
0x3e: {  	_ =	shalt  }
0x3f: {  	_ =	shalt  }
0x40: {  	_ =	shalt  }
0x41: {  	_ =	shalt  }
0x42: {  	_ =	shalt  }
0x43: {  	_ =	shalt  }
0x44: {  	_ =	shalt  }
0x45: {  	_ =	shalt  }
0x46: {  	_ =	shalt  }
0x47: {  	_ =	shalt  }
0x48: {  	_ =	shalt  }
0x49: {  	_ =	shalt  }
0x4a: {  	_ =	shalt  }
0x4b: {  	_ =	shalt  }
0x4c: {  	_ =	shalt  }
0x4d: {  	_ =	shalt  }
0x4e: {  	_ =	shalt  }
0x4f: {  	_ =	shalt  }
0x50: {  	_ =	shalt  }
0x51: {  	_ =	shalt  }
0x52: {  	_ =	shalt  }
0x53: {  	_ =	shalt  }
0x54: {  	_ =	shalt  }
0x55: {  	_ =	shalt  }
0x56: {  	_ =	shalt  }
0x57: {  	_ =	shalt  }
0x58: {  	_ =	shalt  }
0x59: {  	_ =	shalt  }
0x5a: {  	_ =	shalt  }
0x5b: {  	_ =	shalt  }
0x5c: {  	_ =	shalt  }
0x5d: {  	_ =	shalt  }
0x5e: {  	_ =	shalt  }
0x5f: {  	_ =	shalt  }
0x60: {  	_ =	shalt  }
0x61: {  	_ =	shalt  }
0x62: {  	_ =	shalt  }
0x63: {  	_ =	shalt  }
0x64: {  	_ =	shalt  }
0x65: {  	_ =	shalt  }
0x66: {  	_ =	shalt  }
0x67: {  	_ =	shalt  }
0x68: {  	_ =	shalt  }
0x69: {  	_ =	shalt  }
0x6a: {  	_ =	shalt  }
0x6b: {  	_ =	shalt  }
0x6c: {  	_ =	shalt  }
0x6d: {  	_ =	shalt  }
0x6e: {  	_ =	shalt  }
0x6f: {  	_ =	shalt  }
0x70: {  	_ =	shalt  }
0x71: {  	_ =	shalt  }
0x72: {  	_ =	shalt  }
0x73: {  	_ =	shalt  }
0x74: {  	_ =	shalt  }
0x75: {  	_ =	shalt  }
0x76: {  	_ =	shalt  }
0x77: {  	_ =	shalt  }
0x78: {  	_ =	shalt  }
0x79: {  	_ =	shalt  }
0x7a: {  	_ =	shalt  }
0x7b: {  	_ =	shalt  }
0x7c: {  	_ =	shalt  }
0x7d: {  	_ =	shalt  }
0x7e: {  	_ =	shalt  }
0x7f: {  	_ =	shalt  }
0x80: {  	_ =	shalt  }
0x81: {  	_ =	shalt  }
0x82: {  	_ =	shalt  }
0x83: {  	_ =	shalt  }
0x84: {  	_ =	shalt  }
0x85: {  	_ =	shalt  }
0x86: {  	_ =	shalt  }
0x87: {  	_ =	shalt  }
.Lfunc_end0:
.L_simem_size_0:
called_computation_lowered:
.L_overlay_start_0:
0x88: {  	s2 =	sld [smem:$0x3FD9]  }
0x89: {  	s3 =	sld [smem:$0x3FFE];
	_ =	sdelay $0x1  }
0x8a: {  	s1 =	srdreg.scid  }
0x8b: {  	s0 =	sand.u32 $0x1, s1  }
0x8c: {  	s18 =	sshll.u32 s0, $0xA;
	s2 =	sadd.s32 s3, s2  }
0x8d: {  	s2 =	sadd.s32 s2, s18  }
0x8e: {  	[smem:$0x3FC5] =	sst s2  }
0x8f: {  	_ = 	snop  }
0x90: {  	s2 =	sld [smem:$0x3FC9]  }
0x91: {  	s19 =	sld [smem:$0x3FC8]  }
0x92: {  	s4 =	sld [smem:$0x3FC7]  }
0x93: {  	s5 =	sld [smem:$0x3FD0];
	(tm) =	ssettm $0x1  }
0x94: {  	s6 =	sld [smem:$0x3FFB];
	_ =	sdelay $0x3  }
0x95: {  	_ =	strace s6  }
0x96: {  	s6 =	sld [smem:$0x3FFC];
	_ =	sdelay $0x3  }
0x97: {  	_ =	strace s6  }
0x98: {  	s6 =	sld [smem:$0x3FFD];
	_ =	sdelay $0x3  }
0x99: {  	_ =	strace s6  }
0x9a: {  	_ =	strace $0x8FFFFFFF  }
0x9b: {  	s20 =	sld [smem:$0x3FDB];
	_ =	sdelay $0x1  }
0x9c: {  	s7 =	simm.s32 $_scs_section_size  }
0x9d: {  	s8 =	simm.s32 $_size__tile_overlayer_lowered;
	s9 =	simm.s32 $_tile_overlayer_lowered  }
0x9e: {  	s23 =	simm.s32 $0x1BFF;
	s22 =	sshll.u32 s9, $0x1;
	s6 =	sadd.s32 s7, s20  }
0x9f: {  	s10 =	simm.s32 $0x0;
	s21 =	sshll.u32 s8, $0x1;
	s8 =	sadd.s32 s22, s6  }
0xa0: {  	[timem:s10], [sflag:s23] =	dma.local [hbm:s8], s21  }
0xa1: {  	_ =	swait.ge [sflag:s23], s21  }
0xa2: {  	s7 =	ssub.s32 $0x0, s21;
	[sflag:s23] =	ssyncset.done $0x0  }
0xa3: {  	[sflag:s23] =	ssyncadd.s32 s7;
	_ =	sdelay $0x1  }
0xa4: {  	s24 =	simm.s32 $0x1B8B  }
0xa5: {  	_ =	swait.ge [sflag:s24], $0x1  }
0xa6: {  	[sflag:s24] =	ssyncset.done $0x0  }
0xa7: {  	s25 =	simm.s32 $0x1B8E;
	[sflag:s24] =	ssyncadd.s32 $0xFFFFFFFF  }
0xa8: {  	s26 =	simm.s32 $execute0_lowered;
	[smem:$0x3FD2] =	sst s25  }
0xa9: {  	s7 =	sshll.u32 s26, $0x1;
	_ =	strace $0x80000046;
	[dreg:$0x1] =	wrdreg $0xFFFFFFFF  }
0xaa: {  	s28 =	simm.s32 $_size_execute0_lowered;
	s6 =	sadd.s32 s6, s7;
	[dreg:$0x0] =	wrdreg $0x0  }
0xab: {  	s7 =	sshll.u32 s28, $0x1;
	[dreg:$0x2] =	wrdreg s6  }
0xac: {  	[dreg:$0x3] =	wrdreg s7  }
0xad: {  	[dreg:$0x4] =	wrdreg $0xC0  }
0xae: {  	_ =	task [dreg:s10], $0x5FFFF  }
0xaf: {  	[dreg:$0x1] =	wrdreg $0xFFFFFFFF  }
0xb0: {  	[dreg:$0x0] =	wrdreg $0x60  }
0xb1: {  	[dreg:$0x2] =	wrdreg s2  }
0xb2: {  	[dreg:$0x3] =	wrdreg s19  }
0xb3: {  	[dreg:$0x4] =	wrdreg s4  }
0xb4: {  	[dreg:$0x5] =	wrdreg s5  }
0xb5: {  	[dreg:$0x6] =	wrdreg $0x9  }
0xb6: {  	_ =	task.clear_ibuf [dreg:s10], $0x7FFFF;
	_ =	strace $0x90000046  }
0xb7: {  	s29 =	simm.s32 $0x9;
	_ =	strace $0x80000048  }
0xb8: {  	_ =	swait.ge [sflag:s29], $0x1  }
0xb9: {  	[sflag:s29] =	ssyncadd.s32 $0xFFFFFFFF  }
0xba: {  	_ =	strace $0x90000048  }
0xbb: {  	_ =	sfence  }
0xbc: {  	s30 =	sld [smem:$0x0];
	_ =	sdelay $0x2  }
0xbd: {  	s31 =	sshll.u32 s1, $0xD;
	s1 =	sshrl.u32 s1, $0x2  }
0xbe: {  	s3 =	sand.u32 $0x4000, s31;
	s1 =	sadd.s32 s1, s30  }
0xbf: {  	s0 =	sor.u32 s3, s0;
	s1 =	sshll.u32 s1, $0x11  }
0xc0: {  	s0 =	sor.u32 s1, s0  }
0xc1: {  	s0 =	sadd.s32 $0x8F2B, s0  }
0xc2: {  	[sflag:s0] =	ssyncadd.remote.s32 $0x1  }
0xc3: {  	_ =	sfence.sel $0xFFFF  }
0xc4: {  	[dreg:$0x0] =	wrdreg $0xFFFFFFFF;
	(pc) =	sbr.abs _section_cstart, $3  }
0xc5: {  	[dreg:$0x1] =	wrdreg $0xFFFFFFFF  }
0xc6: {  	_ =	task.clear_ibuf [dreg:s10], $0x2FFFF;
	_ =	strace $0x9FFFFFFF  }
0xc7: {  	(tm) =	ssettm $0x7FFFFFFF  }
tec
execute0_lowered:
.L_overlay_start_1:
0x0: {  	(tag) =	ssettag $0x1  }
0x1: {  	s3 =	rddreg [dreg:$0x2]  }
0x2: {  	s0 =	srdreg.scid;
	s1 =	rddreg [dreg:$0x3];
	s4 =	simm.s32 $0x0  }
0x3: {  	s5 =	stileid.u32;
	s26 =	simm.s32 $0x1900;
	s0 =	sand.u32 $0x1, s0  }
0x4: {  	[smem:$0x7FF] =	sst s4;
	s30 =	sshll.u32 s5, $0x1;
	s7 =	sadd.s32 $0x100, s3  }
0x5: {  	s8 =	sadd.s32 $0x200, s3;
	s9 =	sadd.s32 $0x300, s3;
	s10 =	sadd.s32 $0x400, s3  }
0x6: {  	s11 =	sadd.s32 $0x500, s3;
	s12 =	sadd.s32 $0x600, s3;
	s13 =	sadd.s32 $0x700, s3  }
0x7: {  	s14 =	sadd.s32 $0x800, s3;
	s15 =	sadd.s32 $0x900, s3;
	s16 =	sadd.s32 $0xA00, s3  }
0x8: {  	s17 =	sadd.s32 $0xB00, s3;
	s18 =	sadd.s32 $0xC00, s3;
	s19 =	sadd.s32 $0xD00, s3  }
.Ltmp0:
0x9: {  	s20 =	sadd.s32 $0xE00, s3;
	s2 =	ssub.s32 $0x2, s0;
	(pc) =	sbr.rel .LBB2_1-.Ltmp0, $4  }
0xa: {  	v2 =	vlaneseq.u32;
	s21 =	sadd.s32 $0xF00, s3;
	s6 =	sor.u32 s0, s30;
	s29 =	sshrl.u32 s2, $0x1  }
0xb: {  	v1 =	vmul.u32 $0x20, v2;
	s4 =	simm.s32 $0x0;
	s0 =	sshll.u32 s6, $0x4;
	s2 =	ssub.s32 s2, s29  }
0xc: {  	vm0 =	vmmov $0xffff;
	v3 =	vshrl.u32 v2, $0x3;
	v2 =	vand.u32 $0x7, v2;
	_ =	strace $0x80000047;
	s0 =	sand.u32 $0x70, s0;
	s31 =	smax.u32 s2, $0x1  }
0xd: {  	v3 =	vmul.u32 $0x8, v3;
	v0 =	vmov s6;
	v1 =	vor.u32 s6, v1;
	s22 =	sadd.s32 s1, s0;
	s2 =	simm.s32 $0x1;
	[dreg:$0x5] =	wrdreg s31  }
.LBB2_16:
0xe: {  	s1 =	simm.s32 $0x3  }
0xf: {  	_ =	swait.ge [sflag:s1], $0x800  }
0x10: {  	s4 =	rddreg [dreg:$0x6]  }
0x11: {  	s0 =	rddreg [dreg:$0x5];
	s4 =	sadd.s32 $0x1, s4  }
0x12: {  	p0 =	sne.s32 s4, s0  }
.Ltmp1:
0x13: {  	_ = 	snop;
	(pc) =	sbr.rel @!p0 .LBB2_17-.Ltmp1, $3  }
0x14: {  	_ =	sdelay $0x1  }
0x15: {  	[sflag:s1] =	ssyncset.done $0x0  }
0x16: {  	[sflag:s1] =	ssyncadd.s32 $0xFFFFF800  }
.LBB2_1:
0x17: {  	[dreg:$0x6] =	wrdreg s4  }
0x18: {  	s0 =	rddreg [dreg:$0x0];
	s1 =	simm.s32 $0x0;
	s29 =	simm.s32 $0x4  }
0x19: {  	[tilespmem:s1], [sflag:$0x4] =	stream.linear.gather [hbm4b:s0+s1], $0x1000, $0x38;
	[tilespmem:$0x13900] =	vst v63  }
0x1a: {  	_ =	swait.ge [sflag:s29], $0x1000  }
0x1b: {  	[sflag:s29] =	ssyncset.done $0x0  }
0x1c: {  	[sflag:s29] =	ssyncadd.s32 $0xFFFFF000  }
0x1d: {  	s5 =	simm.s32 $0x1000;
	s31 =	rddreg [dreg:$0x1]  }
0x1e: {  	[tilespmem:s5], [sflag:$0x4] =	stream.linear.gather [hbm4b:s31+s1], $0x800, $0x38;
	[tilespmem:$0x13900] =	vst v63  }
0x1f: {  	_ =	swait.ge [sflag:s29], $0x800  }
0x20: {  	[sflag:s29] =	ssyncset.done $0x0  }
0x21: {  	[sflag:s29] =	ssyncadd.s32 $0xFFFFF800  }
0x22: {  	v4 =	vld.idx.msk [tilespmem:v1+s5+$0x0], $0xffff;
	_ =	sdelay $0x4  }
0x23: {  	[tilespmem:$0x1800] =	vst v4  }
0x24: {  	v4 =	vld.msk [tilespmem:$0x1800], $0xff;
	_ =	sdelay $0x4  }
0x25: {  	v5 =	vshll.u32 v4, $0x5  }
0x26: {  	v4 =	vand.u32 $0x7, v4;
	v5 =	vand.u32 $0xFFFFFF00, v5  }
0x27: {  	v4 =	vor.u32 v4, v5  }
0x28: {  	v4 =	vperm.xlane v4, v2;
	_ =	sdelay $0x1  }
0x29: {  	v4 =	vadd.s32 v3, v4;
	_ =	sdelay $0x4  }
0x2a: {  	[tilespmem:s26], [sflag:$0x1] =	stream.indirect_vreg.gather [hbm4b:s3+s1], $0x80, v4, vm0, $0xb8;
	[tilespmem:$0x13900] =	vst v63  }
0x2b: {  	s5 =	simm.s32 $0x2100  }
0x2c: {  	[tilespmem:s5], [sflag:$0x1] =	stream.indirect_vreg.gather [hbm4b:s7+s1], $0x80, v4, vm0, $0xb8;
	[tilespmem:$0x13900] =	vst v63  }
0x2d: {  	s23 =	simm.s32 $0x2900  }
0x2e: {  	[tilespmem:s23], [sflag:$0x1] =	stream.indirect_vreg.gather [hbm4b:s8+s1], $0x80, v4, vm0, $0xb8;
	[tilespmem:$0x13900] =	vst v63  }
0x2f: {  	s24 =	simm.s32 $0x3100  }
0x30: {  	[tilespmem:s24], [sflag:$0x1] =	stream.indirect_vreg.gather [hbm4b:s9+s1], $0x80, v4, vm0, $0xb8;
	[tilespmem:$0x13900] =	vst v63  }
0x31: {  	s25 =	simm.s32 $0x3900  }
0x32: {  	[tilespmem:s25], [sflag:$0x1] =	stream.indirect_vreg.gather [hbm4b:s10+s1], $0x80, v4, vm0, $0xb8;
	[tilespmem:$0x13900] =	vst v63  }
0x33: {  	s28 =	simm.s32 $0x4100  }
0x34: {  	[tilespmem:s28], [sflag:$0x1] =	stream.indirect_vreg.gather [hbm4b:s11+s1], $0x80, v4, vm0, $0xb8;
	[tilespmem:$0x13900] =	vst v63  }
0x35: {  	s29 =	simm.s32 $0x4900  }
0x36: {  	[tilespmem:s29], [sflag:$0x1] =	stream.indirect_vreg.gather [hbm4b:s12+s1], $0x80, v4, vm0, $0xb8;
	[tilespmem:$0x13900] =	vst v63  }
0x37: {  	s31 =	simm.s32 $0x5100  }
0x38: {  	[tilespmem:s31], [sflag:$0x1] =	stream.indirect_vreg.gather [hbm4b:s13+s1], $0x80, v4, vm0, $0xb8;
	[tilespmem:$0x13900] =	vst v63  }
0x39: {  	s4 =	simm.s32 $0x5900  }
0x3a: {  	[tilespmem:s4], [sflag:$0x1] =	stream.indirect_vreg.gather [hbm4b:s14+s1], $0x80, v4, vm0, $0xb8;
	[tilespmem:$0x13900] =	vst v63  }
0x3b: {  	s5 =	simm.s32 $0x6100  }
0x3c: {  	[tilespmem:s5], [sflag:$0x1] =	stream.indirect_vreg.gather [hbm4b:s15+s1], $0x80, v4, vm0, $0xb8;
	[tilespmem:$0x13900] =	vst v63  }
0x3d: {  	s23 =	simm.s32 $0x6900  }
0x3e: {  	[tilespmem:s23], [sflag:$0x1] =	stream.indirect_vreg.gather [hbm4b:s16+s1], $0x80, v4, vm0, $0xb8;
	[tilespmem:$0x13900] =	vst v63  }
0x3f: {  	s24 =	simm.s32 $0x7100  }
0x40: {  	[tilespmem:s24], [sflag:$0x1] =	stream.indirect_vreg.gather [hbm4b:s17+s1], $0x80, v4, vm0, $0xb8;
	[tilespmem:$0x13900] =	vst v63  }
0x41: {  	s25 =	simm.s32 $0x7900  }
0x42: {  	[tilespmem:s25], [sflag:$0x1] =	stream.indirect_vreg.gather [hbm4b:s18+s1], $0x80, v4, vm0, $0xb8;
	[tilespmem:$0x13900] =	vst v63  }
0x43: {  	s28 =	simm.s32 $0x8100  }
0x44: {  	[tilespmem:s28], [sflag:$0x1] =	stream.indirect_vreg.gather [hbm4b:s19+s1], $0x80, v4, vm0, $0xb8;
	[tilespmem:$0x13900] =	vst v63  }
0x45: {  	s29 =	simm.s32 $0x8900  }
0x46: {  	[tilespmem:s29], [sflag:$0x1] =	stream.indirect_vreg.gather [hbm4b:s20+s1], $0x80, v4, vm0, $0xb8;
	[tilespmem:$0x13900] =	vst v63  }
0x47: {  	s30 =	simm.s32 $0x0;
	s31 =	simm.s32 $0x9100  }
0x48: {  	[tilespmem:s31], [sflag:$0x1] =	stream.indirect_vreg.gather [hbm4b:s21+s1], $0x80, v4, vm0, $0xb8;
	[tilespmem:$0x13900] =	vst v63  }
.LBB2_2:
0x49: {  	s1 =	sshrl.u32 s30, $0x2  }
0x4a: {  	s0 =	sshll.u32 s30, $0x1;
	s31 =	sshll.u32 s1, $0x3  }
0x4b: {  	p0 =	sne.s32 s0, s31  }
.Ltmp2:
0x4c: {  	_ = 	snop;
	(pc) =	sbr.rel @p0 .LBB2_4-.Ltmp2, $2  }
0x4d: {  	_ =	sdelay $0x2  }
0x4e: {  	s5 =	sand.u32 $0x1, s1  }
0x4f: {  	p1 =	sgt.u32 s30, $0x1B  }
0x50: {  	p0 =	sne.s32 @!p1 s5, $0x0  }
0x51: {  	p0 =	por p0, p1  }
0x52: {  	s1 =	sor.u32 @!p0 $0x8, s0;
	v4 =	vlaneseq.u32 @!p0  }
0x53: {  	v5 =	vadd.s32 @!p0 s1, v4  }
0x54: {  	v5 =	vmin.u32 @!p0 v5, $0x3F  }
0x55: {  	v5 =	vshll.u32 @!p0 v5, $0x5  }
0x56: {  	v5 =	vor.u32 @!p0 v0, v5;
	_ =	sdelay $0x1  }
0x57: {  	_ =	swait.ge [sflag:s2], $0x8000  }
0x58: {  	[sflag:s2] =	ssyncset.done $0x0  }
0x59: {  	[sflag:s2] =	ssyncadd.s32 $0xFFFF8000;
	s1 =	simm.s32 @!p0 $0x1000  }
0x5a: {  	v5 =	vld.idx.msk @!p0 [tilespmem:v5+s1+$0x0], $0xffff;
	_ =	sdelay $0x4  }
0x5b: {  	[tilespmem:$0x1880] =	vst @!p0 v5  }
0x5c: {  	v5 =	vld.msk @!p0 [tilespmem:$0x1880], $0xff;
	_ =	sdelay $0x4  }
0x5d: {  	v6 =	vshll.u32 @!p0 v5, $0x5  }
0x5e: {  	v5 =	vand.u32 @!p0 $0x7, v5;
	v6 =	vand.u32 @!p0 $0xFFFFFF00, v6  }
0x5f: {  	v5 =	vor.u32 @!p0 v5, v6;
	v6 =	vand.u32 @!p0 $0x7, v4;
	v4 =	vshrl.u32 @!p0 v4, $0x3  }
0x60: {  	v5 =	vperm.xlane @!p0 v5, v6;
	v4 =	vmul.u32 @!p0 $0x8, v4;
	_ =	sdelay $0x1  }
0x61: {  	v4 =	vadd.s32 @!p0 v4, v5;
	_ =	sdelay $0x3  }
0x62: {  	vm1 =	vmmov @!p0 $0xffff;
	s4 =	simm.s32 @!p0 $0x9900;
	s1 =	simm.s32 @!p0 $0x0  }
0x63: {  	[tilespmem:s4], [sflag:$0x1] =	stream.indirect_vreg.gather @!p0 [hbm4b:s3+s1], $0x80, v4, vm1, $0xb8;
	[tilespmem:$0x13900] =	vst v63  }
0x64: {  	s4 =	simm.s32 @!p0 $0xA100  }
0x65: {  	[tilespmem:s4], [sflag:$0x1] =	stream.indirect_vreg.gather @!p0 [hbm4b:s7+s1], $0x80, v4, vm1, $0xb8;
	[tilespmem:$0x13900] =	vst v63  }
0x66: {  	s4 =	simm.s32 @!p0 $0xA900  }
0x67: {  	[tilespmem:s4], [sflag:$0x1] =	stream.indirect_vreg.gather @!p0 [hbm4b:s8+s1], $0x80, v4, vm1, $0xb8;
	[tilespmem:$0x13900] =	vst v63  }
0x68: {  	s4 =	simm.s32 @!p0 $0xB100  }
0x69: {  	[tilespmem:s4], [sflag:$0x1] =	stream.indirect_vreg.gather @!p0 [hbm4b:s9+s1], $0x80, v4, vm1, $0xb8;
	[tilespmem:$0x13900] =	vst v63  }
0x6a: {  	s4 =	simm.s32 @!p0 $0xB900  }
0x6b: {  	[tilespmem:s4], [sflag:$0x1] =	stream.indirect_vreg.gather @!p0 [hbm4b:s10+s1], $0x80, v4, vm1, $0xb8;
	[tilespmem:$0x13900] =	vst v63  }
0x6c: {  	s4 =	simm.s32 @!p0 $0xC100  }
0x6d: {  	[tilespmem:s4], [sflag:$0x1] =	stream.indirect_vreg.gather @!p0 [hbm4b:s11+s1], $0x80, v4, vm1, $0xb8;
	[tilespmem:$0x13900] =	vst v63  }
0x6e: {  	s4 =	simm.s32 @!p0 $0xC900  }
0x6f: {  	[tilespmem:s4], [sflag:$0x1] =	stream.indirect_vreg.gather @!p0 [hbm4b:s12+s1], $0x80, v4, vm1, $0xb8;
	[tilespmem:$0x13900] =	vst v63  }
0x70: {  	s4 =	simm.s32 @!p0 $0xD100  }
0x71: {  	[tilespmem:s4], [sflag:$0x1] =	stream.indirect_vreg.gather @!p0 [hbm4b:s13+s1], $0x80, v4, vm1, $0xb8;
	[tilespmem:$0x13900] =	vst v63  }
0x72: {  	s4 =	simm.s32 @!p0 $0xD900  }
0x73: {  	[tilespmem:s4], [sflag:$0x1] =	stream.indirect_vreg.gather @!p0 [hbm4b:s14+s1], $0x80, v4, vm1, $0xb8;
	[tilespmem:$0x13900] =	vst v63  }
0x74: {  	s4 =	simm.s32 @!p0 $0xE100  }
0x75: {  	[tilespmem:s4], [sflag:$0x1] =	stream.indirect_vreg.gather @!p0 [hbm4b:s15+s1], $0x80, v4, vm1, $0xb8;
	[tilespmem:$0x13900] =	vst v63  }
0x76: {  	p2 =	seq.s32 s5, $0x1;
	s4 =	simm.s32 @!p0 $0xE900  }
0x77: {  	[tilespmem:s4], [sflag:$0x1] =	stream.indirect_vreg.gather @!p0 [hbm4b:s16+s1], $0x80, v4, vm1, $0xb8;
	[tilespmem:$0x13900] =	vst v63  }
0x78: {  	p1 =	por !p2, p1;
	s4 =	simm.s32 @!p0 $0xF100  }
0x79: {  	[tilespmem:s4], [sflag:$0x1] =	stream.indirect_vreg.gather @!p0 [hbm4b:s17+s1], $0x80, v4, vm1, $0xb8;
	[tilespmem:$0x13900] =	vst v63  }
0x7a: {  	s23 =	sadd.s32 @!p1 $0x8, s0;
	v5 =	vlaneseq.u32 @!p1;
	s4 =	simm.s32 @!p0 $0xF900  }
0x7b: {  	v6 =	vor.u32 @!p1 s23, v5;
	[tilespmem:s4], [sflag:$0x1] =	stream.indirect_vreg.gather @!p0 [hbm4b:s18+s1], $0x80, v4, vm1, $0xb8;
	[tilespmem:$0x13900] =	vst v63  }
0x7c: {  	v6 =	vmin.u32 @!p1 v6, $0x3F;
	s4 =	simm.s32 @!p0 $0x10100  }
0x7d: {  	v6 =	vshll.u32 @!p1 v6, $0x5;
	[tilespmem:s4], [sflag:$0x1] =	stream.indirect_vreg.gather @!p0 [hbm4b:s19+s1], $0x80, v4, vm1, $0xb8;
	[tilespmem:$0x13900] =	vst v63  }
0x7e: {  	v6 =	vor.u32 @!p1 v0, v6;
	s4 =	simm.s32 @!p0 $0x10900  }
0x7f: {  	[tilespmem:s4], [sflag:$0x1] =	stream.indirect_vreg.gather @!p0 [hbm4b:s20+s1], $0x80, v4, vm1, $0xb8;
	[tilespmem:$0x13900] =	vst v63  }
0x80: {  	s4 =	simm.s32 @!p0 $0x11100  }
0x81: {  	[tilespmem:s4], [sflag:$0x1] =	stream.indirect_vreg.gather @!p0 [hbm4b:s21+s1], $0x80, v4, vm1, $0xb8;
	[tilespmem:$0x13900] =	vst v63  }
0x82: {  	s1 =	simm.s32 @!p1 $0x1000  }
0x83: {  	v4 =	vld.idx.msk @!p1 [tilespmem:v6+s1+$0x0], $0xffff;
	_ =	sdelay $0x4  }
0x84: {  	[tilespmem:$0x1800] =	vst @!p1 v4  }
0x85: {  	v4 =	vld.msk @!p1 [tilespmem:$0x1800], $0xff;
	_ =	sdelay $0x4  }
0x86: {  	v6 =	vshll.u32 @!p1 v4, $0x5  }
0x87: {  	v4 =	vand.u32 @!p1 $0x7, v4;
	v6 =	vand.u32 @!p1 $0xFFFFFF00, v6  }
0x88: {  	v4 =	vor.u32 @!p1 v4, v6;
	v6 =	vand.u32 @!p1 $0x7, v5;
	v5 =	vshrl.u32 @!p1 v5, $0x3  }
0x89: {  	v4 =	vperm.xlane @!p1 v4, v6;
	v5 =	vmul.u32 @!p1 $0x8, v5;
	_ =	sdelay $0x1  }
0x8a: {  	v4 =	vadd.s32 @!p1 v5, v4;
	_ =	sdelay $0x3  }
0x8b: {  	vm1 =	vmmov @!p1 $0xffff;
	s4 =	simm.s32 @!p1 $0x1900;
	s1 =	simm.s32 @!p1 $0x0  }
0x8c: {  	[tilespmem:s4], [sflag:$0x1] =	stream.indirect_vreg.gather @!p1 [hbm4b:s3+s1], $0x80, v4, vm1, $0xb8;
	[tilespmem:$0x13900] =	vst v63  }
0x8d: {  	s4 =	simm.s32 @!p1 $0x2100  }
0x8e: {  	[tilespmem:s4], [sflag:$0x1] =	stream.indirect_vreg.gather @!p1 [hbm4b:s7+s1], $0x80, v4, vm1, $0xb8;
	[tilespmem:$0x13900] =	vst v63  }
0x8f: {  	s4 =	simm.s32 @!p1 $0x2900  }
0x90: {  	[tilespmem:s4], [sflag:$0x1] =	stream.indirect_vreg.gather @!p1 [hbm4b:s8+s1], $0x80, v4, vm1, $0xb8;
	[tilespmem:$0x13900] =	vst v63  }
0x91: {  	s4 =	simm.s32 @!p1 $0x3100  }
0x92: {  	[tilespmem:s4], [sflag:$0x1] =	stream.indirect_vreg.gather @!p1 [hbm4b:s9+s1], $0x80, v4, vm1, $0xb8;
	[tilespmem:$0x13900] =	vst v63  }
0x93: {  	s4 =	simm.s32 @!p1 $0x3900  }
0x94: {  	[tilespmem:s4], [sflag:$0x1] =	stream.indirect_vreg.gather @!p1 [hbm4b:s10+s1], $0x80, v4, vm1, $0xb8;
	[tilespmem:$0x13900] =	vst v63  }
0x95: {  	s4 =	simm.s32 @!p1 $0x4100  }
0x96: {  	[tilespmem:s4], [sflag:$0x1] =	stream.indirect_vreg.gather @!p1 [hbm4b:s11+s1], $0x80, v4, vm1, $0xb8;
	[tilespmem:$0x13900] =	vst v63  }
0x97: {  	s4 =	simm.s32 @!p1 $0x4900  }
0x98: {  	[tilespmem:s4], [sflag:$0x1] =	stream.indirect_vreg.gather @!p1 [hbm4b:s12+s1], $0x80, v4, vm1, $0xb8;
	[tilespmem:$0x13900] =	vst v63  }
0x99: {  	s4 =	simm.s32 @!p1 $0x5100  }
0x9a: {  	[tilespmem:s4], [sflag:$0x1] =	stream.indirect_vreg.gather @!p1 [hbm4b:s13+s1], $0x80, v4, vm1, $0xb8;
	[tilespmem:$0x13900] =	vst v63  }
0x9b: {  	s4 =	simm.s32 @!p1 $0x5900  }
0x9c: {  	[tilespmem:s4], [sflag:$0x1] =	stream.indirect_vreg.gather @!p1 [hbm4b:s14+s1], $0x80, v4, vm1, $0xb8;
	[tilespmem:$0x13900] =	vst v63  }
0x9d: {  	s4 =	simm.s32 @!p1 $0x6100  }
0x9e: {  	[tilespmem:s4], [sflag:$0x1] =	stream.indirect_vreg.gather @!p1 [hbm4b:s15+s1], $0x80, v4, vm1, $0xb8;
	[tilespmem:$0x13900] =	vst v63  }
0x9f: {  	s4 =	simm.s32 @!p1 $0x6900  }
0xa0: {  	[tilespmem:s4], [sflag:$0x1] =	stream.indirect_vreg.gather @!p1 [hbm4b:s16+s1], $0x80, v4, vm1, $0xb8;
	[tilespmem:$0x13900] =	vst v63  }
0xa1: {  	s4 =	simm.s32 @!p1 $0x7100  }
0xa2: {  	[tilespmem:s4], [sflag:$0x1] =	stream.indirect_vreg.gather @!p1 [hbm4b:s17+s1], $0x80, v4, vm1, $0xb8;
	[tilespmem:$0x13900] =	vst v63  }
0xa3: {  	s4 =	simm.s32 @!p1 $0x7900  }
0xa4: {  	[tilespmem:s4], [sflag:$0x1] =	stream.indirect_vreg.gather @!p1 [hbm4b:s18+s1], $0x80, v4, vm1, $0xb8;
	[tilespmem:$0x13900] =	vst v63  }
0xa5: {  	s4 =	simm.s32 @!p1 $0x8100  }
0xa6: {  	[tilespmem:s4], [sflag:$0x1] =	stream.indirect_vreg.gather @!p1 [hbm4b:s19+s1], $0x80, v4, vm1, $0xb8;
	[tilespmem:$0x13900] =	vst v63  }
0xa7: {  	s4 =	simm.s32 @!p1 $0x8900  }
0xa8: {  	[tilespmem:s4], [sflag:$0x1] =	stream.indirect_vreg.gather @!p1 [hbm4b:s20+s1], $0x80, v4, vm1, $0xb8;
	[tilespmem:$0x13900] =	vst v63  }
0xa9: {  	s4 =	simm.s32 @!p1 $0x9100  }
0xaa: {  	[tilespmem:s4], [sflag:$0x1] =	stream.indirect_vreg.gather @!p1 [hbm4b:s21+s1], $0x80, v4, vm1, $0xb8;
	[tilespmem:$0x13900] =	vst v63  }
.LBB2_4:
0xab: {  	s29 =	simm.s32 $0x40  }
0xac: {  	v14 =	vld [tilespmem:s29+$0x20]  }
0xad: {  	v8 =	vld [tilespmem:s29+$0xFFFFFFC0]  }
0xae: {  	v11 =	vld [tilespmem:s29+$0xFFFFFFE0]  }
0xaf: {  	s23 =	ssub.s32 s0, s31;
	v4 =	vmov s5;
	v7 =	vld [tilespmem:s29+$0xFFFFFFF0]  }
0xb0: {  	v5 =	vmov s23;
	v4 =	vshll.u32 v4, $0xF;
	v17 =	vld [tilespmem:s29+$0x0]  }
0xb1: {  	v4 =	vbroadcast v4, $0x0;
	v6 =	vshll.u32 v5, $0xC;
	v5 =	vshll.u32 v5, $0x7  }
0xb2: {  	s4 =	sshll.u32 s30, $0x6;
	v6 =	vand.u32 $0xFFFF8000, v6;
	v5 =	vand.u32 $0x300, v5  }
0xb3: {  	s1 =	sor.u32 s6, s4;
	v9 =	vld [tilespmem:s29+$0xFFFFFFD0];
	v6 =	vadd.s32 v4, v6;
	v10 =	vshll.u32 v8, $0x3;
	v12 =	vshll.u32 v11, $0x3  }
0xb4: {  	v16 =	vld [tilespmem:s29+$0x10];
	s28 =	sadd.s32 $0x1, s1;
	v8 =	vand.u32 $0x7F, v8;
	v18 =	vshll.u32 v14, $0x3;
	v20 =	vshll.u32 v7, $0x3  }
0xb5: {  	v15 =	vld [tilespmem:s29+$0x30];
	s5 =	sshrl.u32 s28, $0x4;
	v21 =	vshll.u32 v17, $0x3;
	v22 =	vand.u32 $0x7F, v17;
	v10 =	vand.u32 $0xFFFFFC00, v10  }
0xb6: {  	s5 =	sand.u32 $0x7FFFFF8, s5;
	v12 =	vand.u32 $0xFFFFFC00, v12;
	v21 =	vand.u32 $0xFFFFFC00, v21;
	v10 =	vadd.s32 v6, v10  }
0xb7: {  	s23 =	sadd.s32 $0x10, s5;
	v18 =	vand.u32 $0xFFFFFC00, v18;
	v13 =	vor.u32 v8, v10;
	v10 =	vadd.s32 v6, v12  }
0xb8: {  	p1 =	sgt.u32 s23, $0x8;
	v8 =	vand.u32 $0x7F, v9;
	v9 =	vshll.u32 v9, $0x3;
	v19 =	vor.u32 v5, v13  }
.Ltmp3:
0xb9: {  	v12 =	vand.u32 $0x7F, v11;
	v11 =	vand.u32 $0x7F, v16;
	v16 =	vshll.u32 v16, $0x3;
	(pc) =	sbr.rel @!p1 .LBB2_5-.Ltmp3, $4  }
0xba: {  	v13 =	vand.u32 $0x7F, v15;
	v17 =	vand.u32 $0xFFFFFC00, v16;
	v16 =	vadd.s32 v6, v21  }
0xbb: {  	v15 =	vshll.u32 v15, $0x3;
	v21 =	vand.u32 $0xFFFFFC00, v20;
	v16 =	vor.u32 v22, v16  }
0xbc: {  	v22 =	vand.u32 $0x7F, v14;
	v24 =	vand.u32 $0xFFFFFC00, v15;
	v15 =	vadd.s32 v6, v18  }
0xbd: {  	s25 =	simm.s32 $0x11940;
	p0 =	por $0x0, $0x0;
	s5 =	simm.s32 $0xC0;
	v14 =	vadd.s32 v6, v21;
	v20 =	vor.u32 v5, v16;
	v23 =	vor.u32 v22, v15;
	v16 =	vld.idx.msk [tilespmem:v19+s26+$0x0], $0xffff  }
0xbe: {  	_ =	sdelay $0x1  }
0xbf: {  	v21 =	vld [tilespmem:s5+$0x20]  }
0xc0: {  	v10 =	vor.u32 v12, v10;
	v15 =	vld [tilespmem:s5+$0xFFFFFFC0]  }
0xc1: {  	v12 =	vadd.s32 v6, v24;
	v9 =	vand.u32 $0xFFFFFC00, v9;
	v19 =	vld.idx.msk [tilespmem:v20+s26+$0x0], $0xffff;
	v20 =	vor.u32 v5, v23  }
0xc2: {  	v22 =	vld [tilespmem:s5+$0x30];
	v18 =	vor.u32 v5, v10;
	v10 =	vor.u32 v13, v12;
	v9 =	vadd.s32 v6, v9  }
0xc3: {  	v12 =	vld [tilespmem:s5+$0xFFFFFFE0];
	v13 =	vadd.s32 v6, v17;
	v17 =	vor.u32 v5, v10;
	v8 =	vor.u32 v8, v9  }
0xc4: {  	v24 =	vld [tilespmem:s5+$0x0];
	v10 =	vor.u32 v11, v13;
	v23 =	vor.u32 v5, v8;
	v8 =	vand.u32 $0x7F, v7  }
0xc5: {  	v11 =	vld [tilespmem:s5+$0xFFFFFFD0];
	v13 =	vor.u32 v5, v10;
	(erf) = vrcp.f32 v16;
	v14 =	vor.u32 v8, v14  }
0xc6: {  	v7 =	vld [tilespmem:s5+$0xFFFFFFF0];
	v9 =	vshll.u32 v15, $0x3;
	v8 =	vand.u32 $0x7F, v15;
	(erf) = vrcp.f32 v19  }
0xc7: {  	v19 =	vshll.u32 v21, $0x3;
	v14 =	vor.u32 v5, v14;
	v9 =	vand.u32 $0xFFFFFC00, v9  }
0xc8: {  	v16 =	vld [tilespmem:s5+$0x10];
	v21 =	vand.u32 $0x7F, v21;
	v10 =	vshll.u32 v12, $0x3;
	v9 =	vadd.s32 v6, v9  }
0xc9: {  	v12 =	vand.u32 $0x7F, v12;
	v10 =	vand.u32 $0xFFFFFC00, v10;
	v15 =	vor.u32 v8, v9  }
0xca: {  	v10 =	vadd.s32 v6, v10;
	v8 =	vand.u32 $0x7F, v11;
	v9 =	vshll.u32 v11, $0x3;
	v26 =	vld.idx.msk [tilespmem:v13+s26+$0x0], $0xffff  }
0xcb: {  	v27 =	vshll.u32 v7, $0x3;
	v13 =	vand.u32 $0x7F, v22;
	v28 =	vld.idx.msk [tilespmem:v23+s26+$0x0], $0xffff;
	v23 =	vshll.u32 v24, $0x3  }
0xcc: {  	p1 =	sgt.u32 s23, $0x10;
	v22 =	vshll.u32 v22, $0x3;
	v24 =	vand.u32 $0x7F, v24;
	v25 =	vor.u32 v5, v15  }
.Ltmp4:
0xcd: {  	v11 =	vand.u32 $0x7F, v16;
	v16 =	vshll.u32 v16, $0x3;
	v15 =	vld.idx.msk [tilespmem:v17+s26+$0x0], $0xffff;
	v23 =	vand.u32 $0xFFFFFC00, v23;
	(pc) =	sbr.rel @!p1 .LBB2_7-.Ltmp4, $4  }
0xce: {  	v18 =	vld.idx.msk [tilespmem:v18+s26+$0x0], $0xffff;
	v27 =	vand.u32 $0xFFFFFC00, v27;
	v17 =	vand.u32 $0xFFFFFC00, v16;
	v16 =	vadd.s32 v6, v23  }
0xcf: {  	v23 =	vand.u32 $0xFFFFFC00, v19;
	v19 =	vld.idx.msk [tilespmem:v20+s26+$0x0], $0xffff;
	v16 =	vor.u32 v24, v16;
	v24 =	vand.u32 $0xFFFFFC00, v22  }
0xd0: {  	s29 =	simm.s32 $0x10;
	p0 =	por $0x1, $0x1;
	v23 =	vadd.s32 v6, v23;
	v22 =	vld.idx.msk [tilespmem:v14+s26+$0x0], $0xffff;
	v20 =	vor.u32 v5, v16;
	v29 =	vpop (erf);
	(erf) = vrcp.f32 v26  }
0xd1: {  	s28 =	simm.s32 $0x11940;
	s24 =	simm.s32 $0x11940;
	s5 =	simm.s32 $0x140;
	v14 =	vadd.s32 v6, v27;
	v23 =	vor.u32 v21, v23;
	[tilespmem:s25+$0xFFFFFFC0] =	vst v29;
	v16 =	vld.idx.msk [tilespmem:v25+s26+$0x0], $0xffff;
	(erf) = vrcp.f32 v28;
	v21 =	vpop (erf)  }
.LBB2_8:
0xd2: {  	v25 =	vld [tilespmem:s5+$0x20];
	s29 =	sadd.s32 $0x8, s29;
	v10 =	vor.u32 v12, v10;
	v12 =	vadd.s32 v6, v24;
	s28 =	sadd.s32 $0x80, s28;
	(erf) = vrcp.f32 v15  }
0xd3: {  	v15 =	vld [tilespmem:s5+$0xFFFFFFC0];
	p1 =	slt.u32 s29, s23;
	v24 =	vor.u32 v5, v10;
	v10 =	vor.u32 v13, v12;
	(erf) = vrcp.f32 v18  }
0xd4: {  	v13 =	vadd.s32 v6, v17;
	v12 =	vld [tilespmem:s5+$0xFFFFFFE0];
	v17 =	vor.u32 v5, v10;
	(erf) = vrcp.f32 v19  }
0xd5: {  	v9 =	vand.u32 $0xFFFFFC00, v9;
	v10 =	vor.u32 v11, v13;
	v19 =	vor.u32 v5, v23;
	v18 =	vld.idx.msk [tilespmem:v20+s26+$0x0], $0xffff  }
0xd6: {  	v9 =	vadd.s32 v6, v9;
	v11 =	vor.u32 v5, v10;
	v20 =	vld [tilespmem:s5+$0x30];
	(erf) = vrcp.f32 v22  }
0xd7: {  	v26 =	vor.u32 v8, v9;
	v13 =	vld [tilespmem:s5+$0xFFFFFFD0];
	(erf) = vrcp.f32 v16  }
0xd8: {  	v23 =	vand.u32 $0x7F, v7;
	v22 =	vor.u32 v5, v26;
	v9 =	vshll.u32 v15, $0x3;
	v16 =	vld [tilespmem:s5+$0x10]  }
0xd9: {  	v14 =	vor.u32 v23, v14;
	v9 =	vand.u32 $0xFFFFFC00, v9;
	v10 =	vshll.u32 v12, $0x3;
	v7 =	vld [tilespmem:s5+$0xFFFFFFF0];
	[tilespmem:s24+$0x0] =	vst v21;
	v8 =	vpop (erf)  }
0xda: {  	v15 =	vand.u32 $0x7F, v15;
	v9 =	vadd.s32 v6, v9;
	v10 =	vand.u32 $0xFFFFFC00, v10;
	v21 =	vld [tilespmem:s5+$0x0];
	[tilespmem:s24+$0x10] =	vst v8;
	v8 =	vpop (erf)  }
0xdb: {  	v23 =	vor.u32 v15, v9;
	v10 =	vadd.s32 v6, v10;
	v26 =	vld.idx.msk [tilespmem:v11+s26+$0x0], $0xffff;
	(erf) = vrcp.f32 v18;
	[tilespmem:s24+$0xFFFFFFD0] =	vst v8;
	v11 =	vpop (erf)  }
0xdc: {  	v27 =	vshll.u32 v25, $0x3;
	v8 =	vand.u32 $0x7F, v13;
	v9 =	vshll.u32 v13, $0x3;
	v15 =	vld.idx.msk [tilespmem:v17+s26+$0x0], $0xffff;
	[tilespmem:s24+$0x30] =	vst v11;
	v13 =	vpop (erf)  }
0xdd: {  	v12 =	vand.u32 $0x7F, v12;
	v23 =	vor.u32 v5, v23;
	v11 =	vand.u32 $0x7F, v16;
	v28 =	vld.idx.msk [tilespmem:v22+s26+$0x0], $0xffff;
	[tilespmem:s24+$0xFFFFFFE0] =	vst v13;
	v17 =	vpop (erf)  }
0xde: {  	v14 =	vor.u32 v5, v14;
	v13 =	vand.u32 $0x7F, v20;
	v22 =	vshll.u32 v7, $0x3;
	v18 =	vld.idx.msk [tilespmem:v24+s26+$0x0], $0xffff;
	[tilespmem:s24+$0x20] =	vst v17  }
0xdf: {  	v30 =	vshll.u32 v16, $0x3;
	v20 =	vshll.u32 v20, $0x3;
	v17 =	vshll.u32 v21, $0x3;
	v19 =	vld.idx.msk [tilespmem:v19+s26+$0x0], $0xffff;
	v24 =	vpop (erf)  }
.Ltmp5:
0xe0: {  	v21 =	vand.u32 $0x7F, v21;
	v29 =	vand.u32 $0xFFFFFC00, v17;
	v17 =	vand.u32 $0xFFFFFC00, v30;
	v16 =	vpop (erf);
	[tilespmem:s24+$0xFFFFFFF0] =	vst v24;
	s24 =	smov.u32 s28;
	(pc) =	sbr.rel @p1 .LBB2_8-.Ltmp5, $4  }
0xe1: {  	v27 =	vand.u32 $0xFFFFFC00, v27;
	v30 =	vand.u32 $0xFFFFFC00, v22;
	v22 =	vadd.s32 v6, v29;
	[tilespmem:s28+$0xFFFFFFC0] =	vst v16  }
0xe2: {  	v24 =	vand.u32 $0xFFFFFC00, v20;
	v29 =	vand.u32 $0x7F, v25;
	v16 =	vor.u32 v21, v22  }
0xe3: {  	v25 =	vadd.s32 v6, v27;
	v20 =	vor.u32 v5, v16;
	v22 =	vld.idx.msk [tilespmem:v14+s26+$0x0], $0xffff;
	(erf) = vrcp.f32 v26  }
0xe4: {  	s5 =	sadd.s32 $0x80, s5;
	v14 =	vadd.s32 v6, v30;
	v16 =	vld.idx.msk [tilespmem:v23+s26+$0x0], $0xffff;
	v23 =	vor.u32 v29, v25;
	(erf) = vrcp.f32 v28;
	v21 =	vpop (erf)  }
.LBB2_9:
0xe5: {  	v17 =	vadd.s32 v6, v17;
	v9 =	vand.u32 $0xFFFFFC00, v9  }
0xe6: {  	v11 =	vor.u32 v11, v17;
	v9 =	vadd.s32 v6, v9  }
0xe7: {  	v6 =	vadd.s32 v6, v24;
	v11 =	vor.u32 v5, v11;
	v8 =	vor.u32 v8, v9  }
0xe8: {  	v6 =	vor.u32 v13, v6;
	v8 =	vor.u32 v5, v8  }
0xe9: {  	v9 =	vor.u32 v12, v10;
	v6 =	vor.u32 v5, v6  }
0xea: {  	v7 =	vand.u32 $0x7F, v7;
	v9 =	vor.u32 v5, v9  }
0xeb: {  	(erf) = vrcp.f32 @p0 v15;
	v7 =	vor.u32 v7, v14;
	v10 =	vld.idx.msk [tilespmem:v20+s26+$0x0], $0xffff;
	v12 =	vor.u32 v5, v23  }
0xec: {  	(erf) = vrcp.f32 @p0 v18;
	v5 =	vor.u32 v5, v7;
	v11 =	vld.idx.msk [tilespmem:v11+s26+$0x0], $0xffff  }
0xed: {  	(erf) = vrcp.f32 @p0 v19;
	v7 =	vld.idx.msk [tilespmem:v8+s26+$0x0], $0xffff  }
0xee: {  	(erf) = vrcp.f32 @p0 v22;
	v6 =	vld.idx.msk [tilespmem:v6+s26+$0x0], $0xffff  }
0xef: {  	(erf) = vrcp.f32 v16;
	v8 =	vld.idx.msk [tilespmem:v9+s26+$0x0], $0xffff  }
0xf0: {  	(erf) = vrcp.f32 v10;
	v9 =	vld.idx.msk [tilespmem:v12+s26+$0x0], $0xffff  }
0xf1: {  	v5 =	vld.idx.msk [tilespmem:v5+s26+$0x0], $0xffff;
	(erf) = vrcp.f32 v11  }
0xf2: {  	[tilespmem:s24+$0x0] =	vst @p0 v21;
	v10 =	vpop @p0 (erf);
	(erf) = vrcp.f32 v7  }
0xf3: {  	[tilespmem:s24+$0x10] =	vst @p0 v10;
	v7 =	vpop @p0 (erf);
	(erf) = vrcp.f32 v6  }
0xf4: {  	[tilespmem:s24+$0xFFFFFFD0] =	vst @p0 v7;
	v6 =	vpop @p0 (erf);
	(erf) = vrcp.f32 v8  }
0xf5: {  	[tilespmem:s24+$0x30] =	vst @p0 v6;
	v6 =	vpop @p0 (erf);
	(erf) = vrcp.f32 v9  }
0xf6: {  	[tilespmem:s24+$0xFFFFFFE0] =	vst @p0 v6;
	v6 =	vpop @p0 (erf);
	(erf) = vrcp.f32 v5  }
0xf7: {  	s5 =	sadd.s32 @p0 $0x80, s28;
	v5 =	vpop @p0 (erf);
	[tilespmem:s24+$0x20] =	vst @p0 v6  }
0xf8: {  	s25 =	smov.u32 @p0 s5;
	s5 =	sshrl.u32 s30, $0x3;
	v6 =	vpop (erf);
	[tilespmem:s24+$0xFFFFFFF0] =	vst @p0 v5  }
0xf9: {  	p0 =	sgt.s32 s5, $0x1;
	[tilespmem:s25+$0xFFFFFFC0] =	vst v6;
	v5 =	vpop (erf)  }
0xfa: {  	p2 =	seq.s32 @p0 s5, $0x2;
	[tilespmem:s25+$0x0] =	vst v5;
	v5 =	vpop (erf)  }
0xfb: {  	p5 =	seq.s32 @!p0 s5, $0x0;
	p4 =	por !p2, !p0;
	p3 =	por p2, !p0;
	[tilespmem:s25+$0x10] =	vst v5;
	v5 =	vpop (erf)  }
0xfc: {  	p6 =	por p5, p0;
	s23 =	sshll.u32 @!p4 s1, $0x8;
	s24 =	simm.s32 @!p4 $0x80;
	[tilespmem:s25+$0xFFFFFFD0] =	vst v5;
	v5 =	vpop (erf)  }
0xfd: {  	s28 =	simm.s32 @!p4 $0x11900;
	p3 =	seq.s32 @!p3 s5, $0x3;
	p6 =	seq.s32 @!p6 s5, $0x1;
	[tilespmem:s25+$0x30] =	vst v5;
	v5 =	vpop (erf)  }
0xfe: {  	s23 =	sand.u32 @!p4 $0x5D800, s23;
	p1 =	por @p0 !p3, p2;
	p2 =	por !p5, p0;
	[tilespmem:s25+$0xFFFFFFE0] =	vst v5;
	v5 =	vpop (erf)  }
0xff: {  	p6 =	por @!p0 !p6, p5;
	p5 =	por p0, p0;
	s23 =	sadd.s32 @!p4 s23, s22;
	[tilespmem:s25+$0x20] =	vst v5;
	v5 =	vpop (erf)  }
0x100: {  	p3 =	por p1, !p0;
	s5 =	simm.s32 @!p6 $0x0;
	[tilespmem:s25+$0xFFFFFFF0] =	vst v5;
	s25 =	simm.s32 @!p4 $0x400  }
0x101: {  	[hbm4b:s23+s24] =	stream.strided.scatter @!p4 [tilespmem:s28], [sflag:$0x2], $0x600, s25, s24, $0x38;
	[tilespmem:$0x13900] =	vst v63  }
0x102: {  	s5 =	simm.s32 @p6 $0x1;
	s23 =	sshll.u32 @!p3 s1, $0x8;
	s24 =	simm.s32 @!p3 $0x80  }
0x103: {  	s25 =	simm.s32 @!p3 $0x400;
	[smem:$0x7F7] =	sst s5;
	s5 =	simm.s32 @!p0 $0x0  }
0x104: {  	s28 =	simm.s32 @!p3 $0x11900;
	s23 =	sand.u32 @!p3 $0x7D800, s23;
	s5 =	simm.s32 @p0 $0x1  }
0x105: {  	p0 =	por p6, p0;
	p6 =	por !p1, !p5;
	p1 =	por @!p3 $0x0, $0x0  }
0x106: {  	p5 =	por $0x0, $0x0;
	s23 =	sadd.s32 @!p3 s23, s22;
	[smem:$0x7FA] =	sst s5  }
0x107: {  	[hbm4b:s23+s24] =	stream.strided.scatter @!p3 [tilespmem:s28], [sflag:$0x2], $0x800, s25, s24, $0x38;
	[tilespmem:$0x13900] =	vst v63  }
0x108: {  	s5 =	simm.s32 @!p0 $0x80;
	s23 =	sshll.u32 @!p2 s1, $0x8;
	s24 =	simm.s32 @!p2 $0x80  }
0x109: {  	s25 =	simm.s32 @!p2 $0x400;
	s1 =	sshll.u32 @!p0 s1, $0x8;
	s23 =	sand.u32 @!p2 $0x1D800, s23  }
0x10a: {  	s28 =	simm.s32 @!p2 $0x11900;
	s1 =	sand.u32 @!p0 $0x3D800, s1;
	s23 =	sadd.s32 @!p2 s23, s22  }
0x10b: {  	[hbm4b:s23+s24] =	stream.strided.scatter @!p2 [tilespmem:s28], [sflag:$0x2], $0x200, s25, s24, $0x38;
	[tilespmem:$0x13900] =	vst v63  }
0x10c: {  	s1 =	sadd.s32 @!p0 s1, s22;
	s23 =	simm.s32 @!p0 $0x400;
	s24 =	simm.s32 @!p0 $0x11900  }
0x10d: {  	[hbm4b:s1+s5] =	stream.strided.scatter @!p0 [tilespmem:s24], [sflag:$0x2], $0x400, s23, s5, $0x38;
	[tilespmem:$0x13900] =	vst v63  }
0x10e: {  	p1 =	por @!p6 p5, p5;
	p5 =	por @!p3 $0x1, $0x1;
	s1 =	simm.s32 @!p3 $0x0  }
0x10f: {  	s5 =	sld [smem:$0x7F7];
	s1 =	simm.s32 @p3 $0x1;
	p3 =	por $0x0, $0x0  }
0x110: {  	p5 =	por @!p6 p3, p3;
	p3 =	por @!p4 $0x0, $0x0;
	p6 =	por p1, p1  }
0x111: {  	s23 =	sld [smem:$0x7FA];
	p6 =	por @!p4 p3, p3  }
0x112: {  	[smem:$0x7F5] =	sst s1;
	s1 =	simm.s32 @!p6 $0x0  }
0x113: {  	s24 =	sld [smem:$0x7FA];
	p5 =	por @!p4 p3, p3;
	s1 =	simm.s32 @p6 $0x1  }
0x114: {  	p3 =	por @!p4 $0x1, $0x1;
	[smem:$0x7FB] =	sst s1;
	s1 =	simm.s32 @!p4 $0x0  }
0x115: {  	p1 =	por @!p4 p3, p3;
	p3 =	por @!p0 $0x1, $0x1;
	s1 =	simm.s32 @p4 $0x1  }
0x116: {  	p6 =	seq.s32 s23, $0x1;
	p4 =	seq.s32 s5, $0x1;
	[smem:$0x7F6] =	sst s1  }
0x117: {  	p4 =	por !p4, p6;
	p6 =	por $0x0, $0x0;
	s1 =	simm.s32 @!p0 $0x0  }
0x118: {  	s25 =	sld [smem:$0x7FB];
	p3 =	por @!p4 p6, p6;
	s1 =	simm.s32 @p0 $0x1  }
0x119: {  	p6 =	por @!p0 $0x0, $0x0;
	p0 =	por $0x0, $0x0;
	[smem:$0x7F8] =	sst s1  }
0x11a: {  	p6 =	por @!p4 p0, p0;
	p0 =	por @!p2 $0x0, $0x0;
	s1 =	simm.s32 @!p2 $0x0  }
0x11b: {  	p3 =	por @!p2 p0, p0;
	s1 =	simm.s32 @p2 $0x1  }
0x11c: {  	p6 =	por @!p2 p0, p0;
	p0 =	seq.s32 s24, $0x1;
	p2 =	seq.s32 s25, $0x1  }
0x11d: {  	p2 =	por @!p0 p3, p3  }
0x11e: {  	[smem:$0x7F9] =	sst s1;
	s1 =	simm.s32 @!p2 $0x0  }
0x11f: {  	p5 =	por @!p0 p6, p6;
	s1 =	simm.s32 @p2 $0x1  }
0x120: {  	[smem:$0x7FB] =	sst s1;
	s1 =	simm.s32 @!p5 $0x0  }
0x121: {  	p1 =	por @!p0 p6, p6;
	s1 =	simm.s32 @p5 $0x1  }
0x122: {  	[smem:$0x7FC] =	sst s1;
	s1 =	simm.s32 @!p1 $0x0  }
0x123: {  	p0 =	seq.s32 s30, $0x0;
	s1 =	simm.s32 @p1 $0x1  }
0x124: {  	[smem:$0x7FD] =	sst s1;
	s1 =	sadd.s32 @!p0 $0xFFFFFFC0, s4  }
0x125: {  	s1 =	sshra.s32 @!p0 s1, $0x9  }
0x126: {  	p3 =	sgt.s32 @!p0 s1, $0x1  }
0x127: {  	p4 =	por !p3, p0  }
0x128: {  	p5 =	seq.s32 @!p4 s1, $0x2  }
0x129: {  	p6 =	por @!p0 p5, !p3;
	p1 =	por @!p0 !p5, !p3  }
0x12a: {  	p6 =	por p6, p0;
	p1 =	por p1, p0  }
0x12b: {  	p6 =	seq.s32 @!p6 s1, $0x3;
	s4 =	simm.s32 @!p1 $0x3  }
0x12c: {  	p4 =	por @!p4 !p6, p5;
	_ =	swait.ge @!p1 [sflag:s4], $0x600  }
0x12d: {  	p5 =	por p3, p0;
	p4 =	por @!p0 p4, !p3;
	[sflag:s4] =	ssyncset.done @!p1 $0x0  }
0x12e: {  	p4 =	por p4, p0;
	[sflag:s4] =	ssyncadd.s32 @!p1 $0xFFFFFA00;
	p1 =	seq.s32 @!p5 s1, $0x0  }
0x12f: {  	s4 =	simm.s32 @!p4 $0x3;
	p2 =	por @!p0 p1, p3  }
0x130: {  	p6 =	por @!p0 !p1, p3;
	_ =	swait.ge @!p4 [sflag:s4], $0x800;
	p2 =	por p2, p0  }
0x131: {  	p6 =	por p6, p0;
	[sflag:s4] =	ssyncset.done @!p4 $0x0;
	p2 =	seq.s32 @!p2 s1, $0x1  }
0x132: {  	[sflag:s4] =	ssyncadd.s32 @!p4 $0xFFFFF800;
	s4 =	simm.s32 @!p6 $0x3;
	p1 =	por @!p5 !p2, p1  }
0x133: {  	_ =	swait.ge @!p6 [sflag:s4], $0x200;
	p1 =	por @!p0 p1, p3  }
0x134: {  	[sflag:s4] =	ssyncset.done @!p6 $0x0;
	p0 =	por p1, p0  }
0x135: {  	s0 =	sor.u32 $0x1, s0;
	[sflag:s4] =	ssyncadd.s32 @!p6 $0xFFFFFE00;
	s4 =	simm.s32 @!p0 $0x3  }
0x136: {  	s29 =	ssub.s32 s0, s31;
	_ =	swait.ge @!p0 [sflag:s4], $0x400  }
0x137: {  	v5 =	vmov s29;
	[sflag:s4] =	ssyncset.done @!p0 $0x0  }
0x138: {  	s31 =	simm.s32 $0x40;
	v6 =	vshll.u32 v5, $0xC;
	[sflag:s4] =	ssyncadd.s32 @!p0 $0xFFFFFC00  }
0x139: {  	v7 =	vshll.u32 v5, $0x7;
	v6 =	vand.u32 $0xFFFF8000, v6;
	v13 =	vld [tilespmem:s31+$0x20]  }
0x13a: {  	v5 =	vadd.s32 v4, v6;
	v4 =	vand.u32 $0x380, v7;
	v7 =	vld [tilespmem:s31+$0xFFFFFFC0]  }
0x13b: {  	v10 =	vld [tilespmem:s31+$0xFFFFFFE0]  }
0x13c: {  	v6 =	vld [tilespmem:s31+$0xFFFFFFF0]  }
0x13d: {  	v16 =	vld [tilespmem:s31+$0x0];
	_ =	sdelay $0x1  }
0x13e: {  	s28 =	sshll.u32 s0, $0x5  }
0x13f: {  	s0 =	sor.u32 s6, s28;
	v8 =	vld [tilespmem:s31+$0xFFFFFFD0];
	v9 =	vshll.u32 v7, $0x3;
	v11 =	vshll.u32 v10, $0x3  }
0x140: {  	s1 =	sadd.s32 $0x1, s0;
	v15 =	vld [tilespmem:s31+$0x10];
	v7 =	vand.u32 $0x7F, v7;
	v17 =	vshll.u32 v13, $0x3;
	v19 =	vshll.u32 v6, $0x3  }
0x141: {  	s1 =	sshrl.u32 s1, $0x4;
	v14 =	vld [tilespmem:s31+$0x30];
	v20 =	vshll.u32 v16, $0x3;
	v21 =	vand.u32 $0x7F, v16;
	v9 =	vand.u32 $0xFFFFFC00, v9  }
0x142: {  	s1 =	sand.u32 $0x7FFFFF8, s1;
	v11 =	vand.u32 $0xFFFFFC00, v11;
	v20 =	vand.u32 $0xFFFFFC00, v20;
	v9 =	vadd.s32 v5, v9  }
0x143: {  	s4 =	sadd.s32 $0x10, s1;
	v17 =	vand.u32 $0xFFFFFC00, v17;
	v12 =	vor.u32 v7, v9;
	v9 =	vadd.s32 v5, v11  }
0x144: {  	p1 =	sgt.u32 s4, $0x8;
	v7 =	vand.u32 $0x7F, v8;
	v8 =	vshll.u32 v8, $0x3;
	v18 =	vor.u32 v4, v12  }
.Ltmp6:
0x145: {  	v11 =	vand.u32 $0x7F, v10;
	v10 =	vand.u32 $0x7F, v15;
	v15 =	vshll.u32 v15, $0x3;
	(pc) =	sbr.rel @!p1 .LBB2_10-.Ltmp6, $4  }
0x146: {  	v12 =	vand.u32 $0x7F, v14;
	v16 =	vand.u32 $0xFFFFFC00, v15;
	v15 =	vadd.s32 v5, v20  }
0x147: {  	v14 =	vshll.u32 v14, $0x3;
	v20 =	vand.u32 $0xFFFFFC00, v19;
	v15 =	vor.u32 v21, v15  }
0x148: {  	v21 =	vand.u32 $0x7F, v13;
	v23 =	vand.u32 $0xFFFFFC00, v14;
	v14 =	vadd.s32 v5, v17  }
0x149: {  	s5 =	simm.s32 $0xC0;
	s1 =	simm.s32 $0x12940;
	p0 =	por $0x0, $0x0;
	v13 =	vadd.s32 v5, v20;
	v19 =	vor.u32 v4, v15;
	v22 =	vor.u32 v21, v14;
	v15 =	vld.idx.msk [tilespmem:v18+s26+$0x0], $0xffff  }
0x14a: {  	_ =	sdelay $0x1  }
0x14b: {  	v20 =	vld [tilespmem:s5+$0x20]  }
0x14c: {  	v9 =	vor.u32 v11, v9;
	v14 =	vld [tilespmem:s5+$0xFFFFFFC0]  }
0x14d: {  	v11 =	vadd.s32 v5, v23;
	v8 =	vand.u32 $0xFFFFFC00, v8;
	v18 =	vld.idx.msk [tilespmem:v19+s26+$0x0], $0xffff;
	v19 =	vor.u32 v4, v22  }
0x14e: {  	v21 =	vld [tilespmem:s5+$0x30];
	v17 =	vor.u32 v4, v9;
	v9 =	vor.u32 v12, v11;
	v8 =	vadd.s32 v5, v8  }
0x14f: {  	v11 =	vld [tilespmem:s5+$0xFFFFFFE0];
	v12 =	vadd.s32 v5, v16;
	v16 =	vor.u32 v4, v9;
	v7 =	vor.u32 v7, v8  }
0x150: {  	v23 =	vld [tilespmem:s5+$0x0];
	v9 =	vor.u32 v10, v12;
	v22 =	vor.u32 v4, v7;
	v7 =	vand.u32 $0x7F, v6  }
0x151: {  	v10 =	vld [tilespmem:s5+$0xFFFFFFD0];
	v12 =	vor.u32 v4, v9;
	(erf) = vrcp.f32 v15;
	v13 =	vor.u32 v7, v13  }
0x152: {  	v6 =	vld [tilespmem:s5+$0xFFFFFFF0];
	v8 =	vshll.u32 v14, $0x3;
	v7 =	vand.u32 $0x7F, v14;
	(erf) = vrcp.f32 v18  }
0x153: {  	v18 =	vshll.u32 v20, $0x3;
	v13 =	vor.u32 v4, v13;
	v8 =	vand.u32 $0xFFFFFC00, v8  }
0x154: {  	v15 =	vld [tilespmem:s5+$0x10];
	v20 =	vand.u32 $0x7F, v20;
	v9 =	vshll.u32 v11, $0x3;
	v8 =	vadd.s32 v5, v8  }
0x155: {  	v11 =	vand.u32 $0x7F, v11;
	v9 =	vand.u32 $0xFFFFFC00, v9;
	v14 =	vor.u32 v7, v8  }
0x156: {  	v9 =	vadd.s32 v5, v9;
	v7 =	vand.u32 $0x7F, v10;
	v8 =	vshll.u32 v10, $0x3;
	v25 =	vld.idx.msk [tilespmem:v12+s26+$0x0], $0xffff  }
0x157: {  	v26 =	vshll.u32 v6, $0x3;
	v12 =	vand.u32 $0x7F, v21;
	v27 =	vld.idx.msk [tilespmem:v22+s26+$0x0], $0xffff;
	v22 =	vshll.u32 v23, $0x3  }
0x158: {  	p3 =	sgt.u32 s4, $0x10;
	v21 =	vshll.u32 v21, $0x3;
	v23 =	vand.u32 $0x7F, v23;
	v24 =	vor.u32 v4, v14  }
.Ltmp7:
0x159: {  	v10 =	vand.u32 $0x7F, v15;
	v15 =	vshll.u32 v15, $0x3;
	v14 =	vld.idx.msk [tilespmem:v16+s26+$0x0], $0xffff;
	v22 =	vand.u32 $0xFFFFFC00, v22;
	(pc) =	sbr.rel @!p3 .LBB2_12-.Ltmp7, $4  }
0x15a: {  	v17 =	vld.idx.msk [tilespmem:v17+s26+$0x0], $0xffff;
	v26 =	vand.u32 $0xFFFFFC00, v26;
	v16 =	vand.u32 $0xFFFFFC00, v15;
	v15 =	vadd.s32 v5, v22  }
0x15b: {  	v22 =	vand.u32 $0xFFFFFC00, v18;
	v18 =	vld.idx.msk [tilespmem:v19+s26+$0x0], $0xffff;
	v15 =	vor.u32 v23, v15;
	v23 =	vand.u32 $0xFFFFFC00, v21  }
0x15c: {  	s25 =	simm.s32 $0x10;
	p0 =	por $0x1, $0x1;
	v22 =	vadd.s32 v5, v22;
	v21 =	vld.idx.msk [tilespmem:v13+s26+$0x0], $0xffff;
	v19 =	vor.u32 v4, v15;
	v28 =	vpop (erf);
	(erf) = vrcp.f32 v25  }
0x15d: {  	s23 =	simm.s32 $0x12940;
	s24 =	simm.s32 $0x12940;
	s5 =	simm.s32 $0x140;
	v13 =	vadd.s32 v5, v26;
	v22 =	vor.u32 v20, v22;
	[tilespmem:s1+$0xFFFFFFC0] =	vst v28;
	v15 =	vld.idx.msk [tilespmem:v24+s26+$0x0], $0xffff;
	(erf) = vrcp.f32 v27;
	v20 =	vpop (erf)  }
.LBB2_13:
0x15e: {  	v24 =	vld [tilespmem:s5+$0x20];
	s25 =	sadd.s32 $0x8, s25;
	v9 =	vor.u32 v11, v9;
	v11 =	vadd.s32 v5, v23;
	s23 =	sadd.s32 $0x80, s23;
	(erf) = vrcp.f32 v14  }
0x15f: {  	v14 =	vld [tilespmem:s5+$0xFFFFFFC0];
	p3 =	slt.u32 s25, s4;
	v23 =	vor.u32 v4, v9;
	v9 =	vor.u32 v12, v11;
	(erf) = vrcp.f32 v17  }
0x160: {  	v12 =	vadd.s32 v5, v16;
	v11 =	vld [tilespmem:s5+$0xFFFFFFE0];
	v16 =	vor.u32 v4, v9;
	(erf) = vrcp.f32 v18  }
0x161: {  	v8 =	vand.u32 $0xFFFFFC00, v8;
	v9 =	vor.u32 v10, v12;
	v18 =	vor.u32 v4, v22;
	v17 =	vld.idx.msk [tilespmem:v19+s26+$0x0], $0xffff  }
0x162: {  	v8 =	vadd.s32 v5, v8;
	v10 =	vor.u32 v4, v9;
	v19 =	vld [tilespmem:s5+$0x30];
	(erf) = vrcp.f32 v21  }
0x163: {  	v25 =	vor.u32 v7, v8;
	v12 =	vld [tilespmem:s5+$0xFFFFFFD0];
	(erf) = vrcp.f32 v15  }
0x164: {  	v22 =	vand.u32 $0x7F, v6;
	v21 =	vor.u32 v4, v25;
	v8 =	vshll.u32 v14, $0x3;
	v15 =	vld [tilespmem:s5+$0x10]  }
0x165: {  	v13 =	vor.u32 v22, v13;
	v8 =	vand.u32 $0xFFFFFC00, v8;
	v9 =	vshll.u32 v11, $0x3;
	v6 =	vld [tilespmem:s5+$0xFFFFFFF0];
	[tilespmem:s24+$0x0] =	vst v20;
	v7 =	vpop (erf)  }
0x166: {  	v14 =	vand.u32 $0x7F, v14;
	v8 =	vadd.s32 v5, v8;
	v9 =	vand.u32 $0xFFFFFC00, v9;
	v20 =	vld [tilespmem:s5+$0x0];
	[tilespmem:s24+$0x10] =	vst v7;
	v7 =	vpop (erf)  }
0x167: {  	v22 =	vor.u32 v14, v8;
	v9 =	vadd.s32 v5, v9;
	v25 =	vld.idx.msk [tilespmem:v10+s26+$0x0], $0xffff;
	(erf) = vrcp.f32 v17;
	[tilespmem:s24+$0xFFFFFFD0] =	vst v7;
	v10 =	vpop (erf)  }
0x168: {  	v26 =	vshll.u32 v24, $0x3;
	v7 =	vand.u32 $0x7F, v12;
	v8 =	vshll.u32 v12, $0x3;
	v14 =	vld.idx.msk [tilespmem:v16+s26+$0x0], $0xffff;
	[tilespmem:s24+$0x30] =	vst v10;
	v12 =	vpop (erf)  }
0x169: {  	v11 =	vand.u32 $0x7F, v11;
	v22 =	vor.u32 v4, v22;
	v10 =	vand.u32 $0x7F, v15;
	v27 =	vld.idx.msk [tilespmem:v21+s26+$0x0], $0xffff;
	[tilespmem:s24+$0xFFFFFFE0] =	vst v12;
	v16 =	vpop (erf)  }
0x16a: {  	v13 =	vor.u32 v4, v13;
	v12 =	vand.u32 $0x7F, v19;
	v21 =	vshll.u32 v6, $0x3;
	v17 =	vld.idx.msk [tilespmem:v23+s26+$0x0], $0xffff;
	[tilespmem:s24+$0x20] =	vst v16  }
0x16b: {  	v29 =	vshll.u32 v15, $0x3;
	v19 =	vshll.u32 v19, $0x3;
	v16 =	vshll.u32 v20, $0x3;
	v18 =	vld.idx.msk [tilespmem:v18+s26+$0x0], $0xffff;
	v23 =	vpop (erf)  }
.Ltmp8:
0x16c: {  	v20 =	vand.u32 $0x7F, v20;
	v28 =	vand.u32 $0xFFFFFC00, v16;
	v16 =	vand.u32 $0xFFFFFC00, v29;
	v15 =	vpop (erf);
	[tilespmem:s24+$0xFFFFFFF0] =	vst v23;
	s24 =	smov.u32 s23;
	(pc) =	sbr.rel @p3 .LBB2_13-.Ltmp8, $4  }
0x16d: {  	v26 =	vand.u32 $0xFFFFFC00, v26;
	v29 =	vand.u32 $0xFFFFFC00, v21;
	v21 =	vadd.s32 v5, v28;
	[tilespmem:s23+$0xFFFFFFC0] =	vst v15  }
0x16e: {  	v23 =	vand.u32 $0xFFFFFC00, v19;
	v28 =	vand.u32 $0x7F, v24;
	v15 =	vor.u32 v20, v21  }
0x16f: {  	v24 =	vadd.s32 v5, v26;
	v19 =	vor.u32 v4, v15;
	v21 =	vld.idx.msk [tilespmem:v13+s26+$0x0], $0xffff;
	(erf) = vrcp.f32 v25  }
0x170: {  	s5 =	sadd.s32 $0x80, s5;
	v13 =	vadd.s32 v5, v29;
	v15 =	vld.idx.msk [tilespmem:v22+s26+$0x0], $0xffff;
	v22 =	vor.u32 v28, v24;
	(erf) = vrcp.f32 v27;
	v20 =	vpop (erf)  }
0x171: {  	s4 =	sld [smem:$0x7F6];
	_ =	sdelay $0x2  }
0x172: {  	p1 =	seq.s32 s4, $0x1  }
.LBB2_15:
0x173: {  	v16 =	vadd.s32 v5, v16;
	v8 =	vand.u32 $0xFFFFFC00, v8  }
0x174: {  	v10 =	vor.u32 v10, v16;
	v8 =	vadd.s32 v5, v8  }
0x175: {  	v5 =	vadd.s32 v5, v23;
	v10 =	vor.u32 v4, v10;
	v7 =	vor.u32 v7, v8  }
0x176: {  	v5 =	vor.u32 v12, v5;
	v7 =	vor.u32 v4, v7  }
0x177: {  	v58 =	vor.u32 v11, v9;
	v5 =	vor.u32 v4, v5  }
0x178: {  	v6 =	vand.u32 $0x7F, v6;
	v8 =	vor.u32 v4, v58  }
0x179: {  	(erf) = vrcp.f32 @p0 v14;
	v59 =	vld.idx.msk [tilespmem:v19+s26+$0x0], $0xffff;
	v60 =	vor.u32 v4, v22;
	v6 =	vor.u32 v6, v13  }
0x17a: {  	(erf) = vrcp.f32 @p0 v17;
	v4 =	vor.u32 v4, v6;
	v10 =	vld.idx.msk [tilespmem:v10+s26+$0x0], $0xffff  }
0x17b: {  	(erf) = vrcp.f32 @p0 v18;
	v61 =	vld.idx.msk [tilespmem:v7+s26+$0x0], $0xffff  }
0x17c: {  	(erf) = vrcp.f32 @p0 v21;
	v5 =	vld.idx.msk [tilespmem:v5+s26+$0x0], $0xffff  }
0x17d: {  	(erf) = vrcp.f32 v15;
	v62 =	vld.idx.msk [tilespmem:v8+s26+$0x0], $0xffff  }
0x17e: {  	(erf) = vrcp.f32 v59;
	v63 =	vld.idx.msk [tilespmem:v60+s26+$0x0], $0xffff  }
0x17f: {  	v4 =	vld.idx.msk [tilespmem:v4+s26+$0x0], $0xffff;
	(erf) = vrcp.f32 v10  }
0x180: {  	v9 =	vpop @p0 (erf);
	(erf) = vrcp.f32 v61  }
0x181: {  	v6 =	vpop @p0 (erf);
	(erf) = vrcp.f32 v5  }
0x182: {  	[tilespmem:s24+$0x0] =	vst @p0 v20;
	v5 =	vpop @p0 (erf);
	(erf) = vrcp.f32 v62  }
0x183: {  	[tilespmem:s24+$0x30] =	vst @p0 v5;
	v5 =	vpop @p0 (erf);
	(erf) = vrcp.f32 v63  }
0x184: {  	[tilespmem:s24+$0xFFFFFFE0] =	vst @p0 v5;
	v5 =	vpop @p0 (erf);
	(erf) = vrcp.f32 v4  }
0x185: {  	s4 =	sadd.s32 @p0 $0x80, s23;
	v4 =	vpop @p0 (erf);
	[tilespmem:s24+$0x20] =	vst @p0 v5  }
0x186: {  	s1 =	smov.u32 @p0 s4;
	v5 =	vpop (erf);
	[tilespmem:s24+$0xFFFFFFF0] =	vst @p0 v4  }
0x187: {  	[tilespmem:s1+$0xFFFFFFC0] =	vst v5;
	v4 =	vpop (erf)  }
0x188: {  	[tilespmem:s1+$0x0] =	vst v4;
	v4 =	vpop (erf)  }
0x189: {  	[tilespmem:s1+$0x10] =	vst v4;
	v4 =	vpop (erf)  }
0x18a: {  	[tilespmem:s1+$0xFFFFFFD0] =	vst v4;
	v4 =	vpop (erf)  }
0x18b: {  	[tilespmem:s1+$0x30] =	vst v4;
	v4 =	vpop (erf)  }
0x18c: {  	[tilespmem:s1+$0xFFFFFFE0] =	vst v4;
	v4 =	vpop (erf)  }
0x18d: {  	[tilespmem:s1+$0x20] =	vst v4;
	v4 =	vpop (erf)  }
0x18e: {  	[tilespmem:s1+$0xFFFFFFF0] =	vst v4;
	s1 =	sshll.u32 @!p1 s0, $0x8  }
0x18f: {  	s5 =	simm.s32 @!p1 $0x400;
	[tilespmem:s24+$0x10] =	vst @p0 v9;
	s1 =	sand.u32 @!p1 $0xFFFF800, s1  }
0x190: {  	s23 =	simm.s32 @!p1 $0x12900;
	s4 =	simm.s32 @!p1 $0x80;
	[tilespmem:s24+$0xFFFFFFD0] =	vst @p0 v6;
	s1 =	sadd.s32 @!p1 s1, s22  }
0x191: {  	[hbm4b:s1+s4] =	stream.strided.scatter @!p1 [tilespmem:s23], [sflag:$0x3], $0x600, s5, s4, $0x38;
	[tilespmem:$0x13900] =	vst v63  }
0x192: {  	s23 =	sld [smem:$0x7F5];
	_ =	sdelay $0x2  }
0x193: {  	p0 =	seq.s32 s23, $0x1  }
0x194: {  	s1 =	sshll.u32 @!p0 s0, $0x8  }
0x195: {  	s24 =	sld [smem:$0x7F9];
	s4 =	simm.s32 @!p0 $0x80;
	s1 =	sand.u32 @!p0 $0xFFFF800, s1  }
0x196: {  	s5 =	simm.s32 @!p0 $0x400;
	s23 =	simm.s32 @!p0 $0x12900;
	s1 =	sadd.s32 @!p0 s1, s22  }
0x197: {  	[hbm4b:s1+s4] =	stream.strided.scatter @!p0 [tilespmem:s23], [sflag:$0x3], $0x800, s5, s4, $0x38;
	[tilespmem:$0x13900] =	vst v63  }
0x198: {  	p0 =	seq.s32 s24, $0x1  }
0x199: {  	s1 =	sshll.u32 @!p0 s0, $0x8  }
0x19a: {  	s4 =	simm.s32 @!p0 $0x80;
	s1 =	sand.u32 @!p0 $0xFFFF800, s1  }
0x19b: {  	s5 =	simm.s32 @!p0 $0x400;
	s23 =	simm.s32 @!p0 $0x12900;
	s1 =	sadd.s32 @!p0 s1, s22  }
0x19c: {  	[hbm4b:s1+s4] =	stream.strided.scatter @!p0 [tilespmem:s23], [sflag:$0x3], $0x200, s5, s4, $0x38;
	[tilespmem:$0x13900] =	vst v63  }
0x19d: {  	s1 =	simm.s32 @!p0 $0x2  }
0x19e: {  	_ =	swait.ge @!p0 [sflag:s1], $0x200  }
0x19f: {  	s25 =	sld [smem:$0x7F8];
	_ =	sdelay $0x1  }
0x1a0: {  	s28 =	sld [smem:$0x7FB]  }
0x1a1: {  	[sflag:s1] =	ssyncset.done @!p0 $0x0;
	p1 =	seq.s32 s25, $0x1  }
0x1a2: {  	[sflag:s1] =	ssyncadd.s32 @!p0 $0xFFFFFE00;
	s0 =	sshll.u32 @!p1 s0, $0x8  }
0x1a3: {  	p0 =	seq.s32 s28, $0x1;
	s1 =	simm.s32 @!p1 $0x80;
	s0 =	sand.u32 @!p1 $0xFFFF800, s0  }
0x1a4: {  	s4 =	simm.s32 @!p1 $0x400;
	s5 =	simm.s32 @!p1 $0x12900;
	s0 =	sadd.s32 @!p1 s0, s22  }
0x1a5: {  	[hbm4b:s0+s1] =	stream.strided.scatter @!p1 [tilespmem:s5], [sflag:$0x3], $0x400, s4, s1, $0x38;
	[tilespmem:$0x13900] =	vst v63  }
0x1a6: {  	s0 =	simm.s32 @p0 $0x2  }
0x1a7: {  	_ =	swait.ge @p0 [sflag:s0], $0x400  }
0x1a8: {  	s29 =	sld [smem:$0x7FD];
	_ =	sdelay $0x1  }
0x1a9: {  	[sflag:s0] =	ssyncset.done @p0 $0x0  }
0x1aa: {  	[sflag:s0] =	ssyncadd.s32 @p0 $0xFFFFFC00;
	p0 =	seq.s32 s29, $0x1  }
0x1ab: {  	s0 =	simm.s32 @p0 $0x2  }
0x1ac: {  	_ =	swait.ge @p0 [sflag:s0], $0x600  }
0x1ad: {  	s31 =	sld [smem:$0x7FC]  }
0x1ae: {  	s30 =	sadd.s32 $0x1, s30;
	[sflag:s0] =	ssyncset.done @p0 $0x0  }
0x1af: {  	[sflag:s0] =	ssyncadd.s32 @p0 $0xFFFFFA00;
	p0 =	sne.s32 s30, $0x20  }
.Ltmp9:
0x1b0: {  	p1 =	seq.s32 s31, $0x1;
	(pc) =	sbr.rel @p0 .LBB2_2-.Ltmp9, $4  }
.Ltmp10:
0x1b1: {  	s0 =	simm.s32 @p1 $0x2;
	(pc) =	sbr.rel @!p0 .LBB2_16-.Ltmp10, $4  }
0x1b2: {  	_ =	swait.ge @p1 [sflag:s0], $0x800  }
0x1b3: {  	[sflag:s0] =	ssyncset.done @p1 $0x0  }
0x1b4: {  	[sflag:s0] =	ssyncadd.s32 @p1 $0xFFFFF800  }
0x1b5: {  	_ = 	snop  }
.LBB2_5:
.Ltmp11:
0x1b6: {  	(pc) =	sbr.rel .LBB2_9-.Ltmp11, $2  }
0x1b7: {  	_ =	sdelay $0x2  }
0x1b8: {  	s28 =	simm.s32 $0x11940  }
.LBB2_10:
.Ltmp12:
0x1b9: {  	(pc) =	sbr.rel .LBB2_15-.Ltmp12, $2  }
0x1ba: {  	s4 =	sld [smem:$0x7F6];
	_ =	sdelay $0x2  }
0x1bb: {  	s23 =	simm.s32 $0x12940;
	p1 =	seq.s32 s4, $0x1  }
.LBB2_7:
.Ltmp13:
0x1bc: {  	(pc) =	sbr.rel .LBB2_9-.Ltmp13, $2  }
0x1bd: {  	_ =	sdelay $0x2  }
0x1be: {  	s28 =	simm.s32 $0x11940;
	s24 =	simm.s32 $0x11940  }
.LBB2_12:
.Ltmp14:
0x1bf: {  	(pc) =	sbr.rel .LBB2_15-.Ltmp14, $2  }
0x1c0: {  	s4 =	sld [smem:$0x7F6];
	_ =	sdelay $0x2  }
0x1c1: {  	s23 =	simm.s32 $0x12940;
	s24 =	simm.s32 $0x12940;
	p1 =	seq.s32 s4, $0x1  }
.LBB2_17:
0x1c2: {  	_ =	sfence.sel $0x180000  }
0x1c3: {  	[bflag:$0x0] =	sbarrier.arrive $0xFFFF  }
0x1c4: {  	_ =	strace $0x90000047  }
0x1c5: {  	s0 =	stileid.u32;
	[bflag:$0x2] =	sbarrier.arrive $0xFFFF  }
0x1c6: {  	p0 =	sne.s32 s0, $0x0;
	s0 =	rddreg [dreg:$0x4]  }
0x1c7: {  	s0 =	sadd.s32 @!p0 $0x100000, s0  }
0x1c8: {  	[sflag:s0] =	ssyncadd.tile.s32 @!p0 $0x1;
	_ =	shalt  }
.Lfunc_end2:
_tile_overlayer_lowered:
.L_overlay_start_2:
0x1c9: {  	(tag) =	ssettag $0x2  }
0x1ca: {  	s0 =	rddreg [dreg:$0x0];
	s2 =	stileid.u32  }
0x1cb: {  	s1 =	rddreg [dreg:$0x1];
	p0 =	sne.s32 s2, $0x0  }
0x1cc: {  	s3 =	rddreg [dreg:$0x2];
	[bflag:$0x3] =	sbarrier.arrive $0xFFFF;
	s2 =	simm.s32 @!p0 $0x1C04  }
0x1cd: {  	[timem:s3], [sflag:s2] =	dma.local @!p0 [hbm:s0], s1  }
0x1ce: {  	s0 =	simm.s32 @!p0 $0x4  }
0x1cf: {  	_ =	swait.ge @!p0 [sflag:s0], s1  }
0x1d0: {  	s1 =	ssub.s32 @!p0 $0x0, s1;
	[sflag:s0] =	ssyncset.done @!p0 $0x0  }
0x1d1: {  	[sflag:s0] =	ssyncadd.s32 @!p0 s1  }
0x1d2: {  	[bflag:$0x3] =	sbarrier.arrive $0xFFFF  }
0x1d3: {  	_ =	shalt  }

</sc_bundles>
